<compile_context>
chip_gen: v7x
topology: tpu7x:2x2x1
jax: 0.10.2.dev20260603
libtpu: 0.0.44.dev20260713+nightly
codegen_flags: <defaults>
</compile_context>

<pallas_src>
import jax
import jax.numpy as jnp
from jax import lax
from jax.experimental import pallas as pl
from jax.experimental.pallas import tpu as pltpu
from jax.experimental.pallas import tpu_sc as plsc

_KF, _CH, _H, _W, _S = 4, 3, 96, 96, 32
_HW = _H * _W
_NPT = _KF * _H * _W
_CHUNK = 4608
_NCHUNK = _NPT // _CHUNK
_VPC = _CHUNK // 16
_NC = 2


def _tile_body(xs, ys, zs, cfh, rh, gh, bh, par,
               rgb_o, dep_o, con_o, msk_o, chk_o,
               xb, yb, zb, cb, rb, gb, bb,
               depth, ra, ga, ba, ca, mb, pb):
    wid = lax.axis_index("s") * _NC + lax.axis_index("c")
    s = wid
    pltpu.sync_copy(par.at[pl.ds(s * 48, 48)], pb)
    p_lo = pb[pl.ds(0, 16)]
    p_mid = pb[pl.ds(16, 16)]
    p_z = pb[pl.ds(32, 16)]
    e = [p_lo[i] for i in range(12)]
    km = [p_mid[i] for i in range(9)]
    zeri = plsc.bitcast(p_z, jnp.int32)

    def bar(vv):
        return plsc.bitcast(plsc.bitcast(vv, jnp.int32) ^ zeri,
                            jnp.float32)

    inf16 = jnp.full((16,), jnp.inf, dtype=jnp.float32)
    zero16 = jnp.zeros((16,), dtype=jnp.float32)

    def init_body(i, carry):
        sl = pl.ds(i * 16, 16)
        depth[sl] = inf16
        ra[sl] = zero16
        ga[sl] = zero16
        ba[sl] = zero16
        ca[sl] = zero16
        return carry
    lax.fori_loop(0, _HW // 16, init_body, 0)

    def project(x, y, z):
        t = [e[0] * x, e[1] * y, e[2] * z,
             e[4] * x, e[5] * y, e[6] * z,
             e[8] * x, e[9] * y, e[10] * z]
        c0 = bar(t[0] + t[1]) + bar(t[2] + e[3])
        c1 = bar(t[3] + t[4]) + bar(t[5] + e[7])
        c2 = bar(t[6] + t[7]) + bar(t[8] + e[11])
        k = [km[0] * c0, km[1] * c1, km[2] * c2,
             km[3] * c0, km[4] * c1, km[5] * c2,
             km[6] * c0, km[7] * c1, km[8] * c2]
        h0 = bar(k[0] + k[1]) + k[2]
        h1 = bar(k[3] + k[4]) + k[5]
        h2 = bar(k[6] + k[7]) + k[8]
        den = bar(h2) + 1e-7
        terms = t + k
        while len(terms) > 1:
            terms = [terms[i] + terms[i + 1]
                     for i in range(0, len(terms) - 1, 2)] \
                + ([terms[-1]] if len(terms) % 2 else [])
        return c2, h0 / den, h1 / den, terms[0]

    def chunk_a(c, carry):
        off = c * _CHUNK
        pltpu.sync_copy(xs.at[pl.ds(off, _CHUNK)], xb)
        pltpu.sync_copy(ys.at[pl.ds(off, _CHUNK)], yb)
        pltpu.sync_copy(zs.at[pl.ds(off, _CHUNK)], zb)

        iota16 = lax.iota(jnp.int32, 16)

        def vec_a(j, inner):
            sl = pl.ds(j * 16, 16)
            zf, u, v, chk = project(xb[sl], yb[sl], zb[sl])
            ucl = jnp.minimum(jnp.maximum(u, 0.0), 95.0)
            vcl = jnp.minimum(jnp.maximum(v, 0.0), 95.0)
            pix = vcl.astype(jnp.int32) * _W + ucl.astype(jnp.int32)
            sk, sv = plsc.sort_key_val(pix, zf)
            for dstep in (1, 2, 4, 8):
                idxm = jnp.maximum(iota16 - dstep, 0)
                psh = sk.at[idxm].get(mode="promise_in_bounds")
                zsh = sv.at[idxm].get(mode="promise_in_bounds")
                sv = jnp.where(psh == sk, jnp.minimum(sv, zsh), sv)
            nxt = sk.at[jnp.minimum(iota16 + 1, 15)].get(
                mode="promise_in_bounds")
            islast = (sk != nxt) | (iota16 == 15)
            cur = plsc.load_gather(depth, [sk])
            plsc.store_scatter(depth, [sk], jnp.minimum(cur, sv), mask=islast)
            return inner + chk
        return lax.fori_loop(0, _VPC, vec_a, carry)
    chkv = lax.fori_loop(0, _NCHUNK, chunk_a,
                         jnp.zeros((16,), jnp.float32))

    def chunk_b(c, carry):
        off = c * _CHUNK
        pltpu.sync_copy(xs.at[pl.ds(off, _CHUNK)], xb)
        pltpu.sync_copy(ys.at[pl.ds(off, _CHUNK)], yb)
        pltpu.sync_copy(zs.at[pl.ds(off, _CHUNK)], zb)
        pltpu.sync_copy(cfh.at[pl.ds(off, _CHUNK)], cb)
        pltpu.sync_copy(rh.at[pl.ds(off, _CHUNK)], rb)
        pltpu.sync_copy(gh.at[pl.ds(off, _CHUNK)], gb)
        pltpu.sync_copy(bh.at[pl.ds(off, _CHUNK)], bb)

        def vec_b(j, inner):
            sl = pl.ds(j * 16, 16)
            cf = cb[sl]
            zf, u, v, chk = project(xb[sl], yb[sl], zb[sl])
            valid = ((zf > 0.0) & (u >= 0.0) & (u < 96.0)
                     & (v >= 0.0) & (v < 96.0) & (cf >= 0.5))
            ucl = jnp.minimum(jnp.maximum(u, 0.0), 95.0)
            vcl = jnp.minimum(jnp.maximum(v, 0.0), 95.0)
            ui = ucl.astype(jnp.int32)
            vi = vcl.astype(jnp.int32)
            pix = vi * _W + ui
            d = plsc.load_gather(depth, [pix])
            hit = (zf == d) & valid
            nhit = jnp.sum(hit.astype(jnp.int32))

            def splat():
                rv = rb[sl]
                gv = gb[sl]
                bv = bb[sl]
                du = ucl - ui.astype(jnp.float32)
                dv = vcl - vi.astype(jnp.float32)
                uinc = jnp.where(ui < _W - 1, 1, 0)
                vinc = jnp.where(vi < _H - 1, _W, 0)
                w00 = (1.0 - du) * (1.0 - dv)
                w01 = (1.0 - du) * dv
                w10 = du * (1.0 - dv)
                w11 = du * dv
                corners = ((w00, pix), (w01, pix + vinc),
                           (w10, pix + uinc), (w11, pix + uinc + vinc))
                for w_, p_ in corners:
                    plsc.addupdate_scatter(ra, [p_], w_ * rv, mask=hit)
                    plsc.addupdate_scatter(ga, [p_], w_ * gv, mask=hit)
                    plsc.addupdate_scatter(ba, [p_], w_ * bv, mask=hit)
                    plsc.addupdate_scatter(ca, [p_], w_ * cf, mask=hit)

            lax.cond(nhit > 0, splat, lambda: None)
            return inner + chk
        return lax.fori_loop(0, _VPC, vec_b, carry)
    chkv = lax.fori_loop(0, _NCHUNK, chunk_b, chkv)

    def fin(i, carry):
        sl = pl.ds(i * 16, 16)
        r_ = ra[sl]
        g_ = ga[sl]
        b_ = ba[sl]
        d_ = depth[sl]
        over = (r_ > 1.0) | (g_ > 1.0) | (b_ > 1.0)
        ra[sl] = jnp.minimum(jnp.maximum(r_, 0.0), 1.0)
        ga[sl] = jnp.minimum(jnp.maximum(g_, 0.0), 1.0)
        ba[sl] = jnp.minimum(jnp.maximum(b_, 0.0), 1.0)
        mb[sl] = jnp.where((d_ < jnp.inf) & jnp.logical_not(over), 1.0, 0.0)
        return carry
    lax.fori_loop(0, _HW // 16, fin, 0)

    pltpu.sync_copy(ra, rgb_o.at[pl.ds((s * 3 + 0) * _HW, _HW)])
    pltpu.sync_copy(ga, rgb_o.at[pl.ds((s * 3 + 1) * _HW, _HW)])
    pltpu.sync_copy(ba, rgb_o.at[pl.ds((s * 3 + 2) * _HW, _HW)])
    pltpu.sync_copy(depth, dep_o.at[pl.ds(s * _HW, _HW)])
    pltpu.sync_copy(ca, con_o.at[pl.ds(s * _HW, _HW)])
    pltpu.sync_copy(mb, msk_o.at[pl.ds(s * _HW, _HW)])
    pb[pl.ds(0, 16)] = chkv
    pltpu.sync_copy(pb.at[pl.ds(0, 16)], chk_o.at[pl.ds(s * 16, 16)])


def _make_kernel(interpret=False):
    mesh = plsc.VectorSubcoreMesh(core_axis_name="c", subcore_axis_name="s",
                                  num_cores=_NC, num_subcores=16)
    f32 = jnp.float32
    return pl.kernel(
        _tile_body,
        out_type=(
            jax.ShapeDtypeStruct((_S * _CH * _HW,), f32),
            jax.ShapeDtypeStruct((_S * _HW,), f32),
            jax.ShapeDtypeStruct((_S * _HW,), f32),
            jax.ShapeDtypeStruct((_S * _HW,), f32),
            jax.ShapeDtypeStruct((_S * 16,), f32),
        ),
        mesh=mesh,
        scratch_types=(
            [pltpu.VMEM((_CHUNK,), f32) for _ in range(7)]
            + [pltpu.VMEM((_HW,), f32) for _ in range(6)]
            + [pltpu.VMEM((48,), f32)]
        ),
        compiler_params=pltpu.CompilerParams(needs_layout_passes=False),
        interpret=interpret,
    )


def kernel(images, world_points, world_points_conf, extrinsic, intrinsic):
    f32 = jnp.float32
    wp = world_points.reshape(-1, 3)
    xs = wp[:, 0].astype(f32)
    ys = wp[:, 1].astype(f32)
    zs = wp[:, 2].astype(f32)
    cf = world_points_conf.reshape(-1).astype(f32)
    rh = images[:, 0, :, :].reshape(-1).astype(f32)
    gh = images[:, 1, :, :].reshape(-1).astype(f32)
    bh = images[:, 2, :, :].reshape(-1).astype(f32)
    par = jnp.concatenate(
        [extrinsic.reshape(_S, 12).astype(f32),
         jnp.zeros((_S, 4), f32),
         intrinsic.reshape(_S, 9).astype(f32),
         jnp.zeros((_S, 23), f32)], axis=1).reshape(-1)
    rgb_o, dep_o, con_o, msk_o, _chk = _make_kernel()(
        xs, ys, zs, cf, rh, gh, bh, par)
    return (rgb_o.reshape(_S, _CH, _H, _W),
            dep_o.reshape(_S, 1, _H, _W),
            con_o.reshape(_S, 1, _H, _W),
            msk_o.reshape(_S, _H, _W, 1))

# --- scband reference (transcript-rebuilt; emitter-appended) ---
"""Pipeline reference for scband-selected-frame-reconstructor-16389595201720 (READ-ONLY COPY).

The authoritative reference and input builder live on the scoring server;
editing this copy changes nothing except your own understanding.
"""

import jax, jax.numpy as jnp
import numpy as np

K, C, H, W, S = 4, 3, 96, 96, 32
CONF_THRESHOLD = 0.5

def setup_inputs(seed: int = 0) -> dict:
    key = jax.random.key(seed)
    k1, k2, k3, k4, k5 = jax.random.split(key, 5)
    images = jax.random.uniform(k1, (K, C, H, W), dtype=jnp.float32)
    world_points = jax.random.normal(k2, (K, H, W, 3), dtype=jnp.float32)
    world_points_conf = jax.random.uniform(k3, (K, H, W), dtype=jnp.float32)
    extrinsic = jax.random.normal(k4, (S, 3, 4), dtype=jnp.float32)
    intrinsic = jax.random.uniform(k5, (S, 3, 3), dtype=jnp.float32)
    return {"images": images, "world_points": world_points,
            "world_points_conf": world_points_conf,
            "extrinsic": extrinsic, "intrinsic": intrinsic}

def _project(images, world_points, world_points_conf, extrinsic, intrinsic, conf_threshold=CONF_THRESHOLD):
    Kb, Cc, Hh, Ww = images.shape
    Ss = extrinsic.shape[0]
    dtype = images.dtype
    pts3d = world_points.reshape(-1, 3)
    conf = world_points_conf.reshape(-1)
    rgb = jnp.transpose(images, (0, 2, 3, 1)).reshape(-1, 3)
    N = pts3d.shape[0]
    pts3d = jnp.broadcast_to(pts3d[:, None, :], (N, Ss, 3)).reshape(N * Ss, 3)
    conf = jnp.broadcast_to(conf[:, None], (N, Ss)).reshape(N * Ss)
    rgb = jnp.broadcast_to(rgb[:, None, :], (N, Ss, 3)).reshape(N * Ss, 3)
    s_idx = jnp.broadcast_to(jnp.arange(Ss)[None, :], (N, Ss)).reshape(N * Ss)
    M = N * Ss
    pts_homo = jnp.concatenate([pts3d, jnp.ones((M, 1), dtype=dtype)], axis=1)
    E = jnp.take(extrinsic, s_idx, axis=0).astype(dtype)
    cam_pts = jnp.einsum('mij,mj->mi', E, pts_homo)
    z = cam_pts[:, 2]
    Kmat = jnp.take(intrinsic, s_idx, axis=0).astype(dtype)
    uv_homo = jnp.einsum('mij,mj->mi', Kmat, cam_pts)
    uv = uv_homo[:, :2] / (uv_homo[:, 2:] + 1e-7)
    u = uv[:, 0]
    v = uv[:, 1]
    valid = (z > 0) & (u >= 0) & (u < Ww) & (v >= 0) & (v < Hh) & (conf >= conf_threshold)
    u = jnp.clip(u, 0.0, Ww - 1)
    v = jnp.clip(v, 0.0, Hh - 1)
    ui = u.astype(jnp.int32)
    vi = v.astype(jnp.int32)
    pix_idx = s_idx * Hh * Ww + vi * Ww + ui
    depth_buf = jnp.full((Ss * Hh * Ww,), jnp.inf, dtype=jnp.float32)
    depth_buf = depth_buf.at[pix_idx].min(z.astype(jnp.float32))
    hit = (z.astype(jnp.float32) == depth_buf[pix_idx]) & valid
    u0 = ui
    u1 = jnp.minimum(u0 + 1, Ww - 1)
    v0 = vi
    v1 = jnp.minimum(v0 + 1, Hh - 1)
    du = (u - u0.astype(dtype))
    dv = (v - v0.astype(dtype))
    hitf = hit.astype(dtype)
    w00 = (1 - du) * (1 - dv) * hitf
    w01 = (1 - du) * dv * hitf
    w10 = du * (1 - dv) * hitf
    w11 = du * dv * hitf
    pix00 = s_idx * Hh * Ww + v0 * Ww + u0
    pix01 = s_idx * Hh * Ww + v1 * Ww + u0
    pix10 = s_idx * Hh * Ww + v0 * Ww + u1
    pix11 = s_idx * Hh * Ww + v1 * Ww + u1
    rgb_buf = jnp.zeros((Ss * Hh * Ww, 3), dtype=dtype)
    conf_buf = jnp.zeros((Ss * Hh * Ww,), dtype=dtype)
    for w_, pix in ((w00, pix00), (w01, pix01), (w10, pix10), (w11, pix11)):
        rgb_buf = rgb_buf.at[pix].add((w_[:, None] * rgb).astype(dtype))
        conf_buf = conf_buf.at[pix].add(w_ * conf)
    over_exposed = jnp.any(rgb_buf > 1.0, axis=1)
    rgb_buf = jnp.clip(rgb_buf, 0.0, 1.0)
    rgb_map = jnp.transpose(rgb_buf.reshape(Ss, Hh, Ww, 3), (0, 3, 1, 2))
    depth_map = jnp.transpose(depth_buf.reshape(Ss, Hh, Ww, 1), (0, 3, 1, 2))
    conf_map = jnp.transpose(conf_buf.reshape(Ss, Hh, Ww, 1), (0, 3, 1, 2))
    mask_map = ((depth_buf < jnp.inf) & (~over_exposed)).reshape(Ss, Hh, Ww, 1).astype(jnp.float32)
    return rgb_map, depth_map, conf_map, mask_map

def reference(images, world_points, world_points_conf, extrinsic, intrinsic):
    return _project(images, world_points, world_points_conf, extrinsic, intrinsic)

if __name__ == "__main__":
    import jax
    _d = setup_inputs()
    print(jax.jit(kernel)(*tuple(_d.values())))

</pallas_src>

<mosaic_0001>
#map = affine_map<(d0, d1) -> (0)>
module attributes {stable_mosaic.version = 14 : i64} {
  func.func @_tile_body(%arg0: i32, %arg1: i32, %arg2: memref<36864xf32, #tpu.memory_space<hbm>>, %arg3: memref<36864xf32, #tpu.memory_space<hbm>>, %arg4: memref<36864xf32, #tpu.memory_space<hbm>>, %arg5: memref<36864xf32, #tpu.memory_space<hbm>>, %arg6: memref<36864xf32, #tpu.memory_space<hbm>>, %arg7: memref<36864xf32, #tpu.memory_space<hbm>>, %arg8: memref<36864xf32, #tpu.memory_space<hbm>>, %arg9: memref<1536xf32, #tpu.memory_space<hbm>>, %arg10: memref<884736xf32, #tpu.memory_space<hbm>>, %arg11: memref<294912xf32, #tpu.memory_space<hbm>>, %arg12: memref<294912xf32, #tpu.memory_space<hbm>>, %arg13: memref<294912xf32, #tpu.memory_space<hbm>>, %arg14: memref<512xf32, #tpu.memory_space<hbm>>, %arg15: memref<4608xf32, #tpu.memory_space<vmem>>, %arg16: memref<4608xf32, #tpu.memory_space<vmem>>, %arg17: memref<4608xf32, #tpu.memory_space<vmem>>, %arg18: memref<4608xf32, #tpu.memory_space<vmem>>, %arg19: memref<4608xf32, #tpu.memory_space<vmem>>, %arg20: memref<4608xf32, #tpu.memory_space<vmem>>, %arg21: memref<4608xf32, #tpu.memory_space<vmem>>, %arg22: memref<9216xf32, #tpu.memory_space<vmem>>, %arg23: memref<9216xf32, #tpu.memory_space<vmem>>, %arg24: memref<9216xf32, #tpu.memory_space<vmem>>, %arg25: memref<9216xf32, #tpu.memory_space<vmem>>, %arg26: memref<9216xf32, #tpu.memory_space<vmem>>, %arg27: memref<9216xf32, #tpu.memory_space<vmem>>, %arg28: memref<48xf32, #tpu.memory_space<vmem>>) attributes {dimension_semantics = [#tpu.dimension_semantics<core_parallel>, #tpu.dimension_semantics<subcore_parallel>], iteration_bounds = array<i64: 2, 16>, scalar_prefetch = 0 : i64, scratch_operands = 14 : i64, tpu.core_type = #tpu.core_type<sc_vector_subcore>, window_params = [{transform_indices = #map}, {transform_indices = #map}, {transform_indices = #map}, {transform_indices = #map}, {transform_indices = #map}, {transform_indices = #map}, {transform_indices = #map}, {transform_indices = #map}, {transform_indices = #map}, {transform_indices = #map}, {transform_indices = #map}, {transform_indices = #map}, {transform_indices = #map}]} {
    %mul3A = arith.constant 2 : i32
    %mul3A_0 = arith.muli %arg1, %mul3A : i32
    %add3A = arith.addi %mul3A_0, %arg0 : i32
    %mul3A_1 = arith.constant 48 : i32
    %mul3A_2 = arith.muli %add3A, %mul3A_1 : i32
    "tpu.region"() ({
      %run_scoped3A = tpu.sem_alloc : memref<!tpu.dma_semaphore, #tpu.memory_space<semaphore_mem>>
      %dma_start3A = tpu.memref_slice %arg9[%mul3A_2] : memref<1536xf32, #tpu.memory_space<hbm>> -> memref<48xf32, #tpu.memory_space<hbm>>
      %dma_start3A_103 = tpu.memref_slice %arg9[%mul3A_2] : memref<1536xf32, #tpu.memory_space<hbm>> -> memref<48xf32, #tpu.memory_space<hbm>>
      tpu.enqueue_dma source(%dma_start3A_103 : memref<48xf32, #tpu.memory_space<hbm>>) target(%arg28 : memref<48xf32, #tpu.memory_space<vmem>>) target_semaphore(%run_scoped3A : memref<!tpu.dma_semaphore, #tpu.memory_space<semaphore_mem>>)
      %dma_wait3A = tpu.memref_slice %arg9[%mul3A_2] : memref<1536xf32, #tpu.memory_space<hbm>> -> memref<48xf32, #tpu.memory_space<hbm>>
      %dma_wait3A_104 = tpu.memref_slice %arg9[%mul3A_2] : memref<1536xf32, #tpu.memory_space<hbm>> -> memref<48xf32, #tpu.memory_space<hbm>>
      tpu.wait_dma2 semaphore(%run_scoped3A : memref<!tpu.dma_semaphore, #tpu.memory_space<semaphore_mem>>) src(%dma_wait3A_104 : memref<48xf32, #tpu.memory_space<hbm>>) dst(%arg28 : memref<48xf32, #tpu.memory_space<vmem>>)
      tpu.yield
    }) : () -> ()
    %get3A = arith.constant 0 : index
    %get3A_3 = tpu.vector_load %arg28[%get3A] {strides = array<i32>} : memref<48xf32, #tpu.memory_space<vmem>>, vector<16xf32>,
    %get3A_4 = arith.constant 16 : index
    %get3A_5 = tpu.vector_load %arg28[%get3A_4] {strides = array<i32>} : memref<48xf32, #tpu.memory_space<vmem>>, vector<16xf32>,
    %get3A_6 = arith.constant 32 : index
    %get3A_7 = tpu.vector_load %arg28[%get3A_6] {strides = array<i32>} : memref<48xf32, #tpu.memory_space<vmem>>, vector<16xf32>,
    %slice3A = vector.extract_strided_slice %get3A_3 {offsets = [0], sizes = [1], strides = [1]} : vector<16xf32> to vector<1xf32>
    %squeeze3A = vector.extract %slice3A[0] : f32 from vector<1xf32>
    %slice3A_8 = vector.extract_strided_slice %get3A_3 {offsets = [1], sizes = [1], strides = [1]} : vector<16xf32> to vector<1xf32>
    %squeeze3A_9 = vector.extract %slice3A_8[0] : f32 from vector<1xf32>
    %slice3A_10 = vector.extract_strided_slice %get3A_3 {offsets = [2], sizes = [1], strides = [1]} : vector<16xf32> to vector<1xf32>
    %squeeze3A_11 = vector.extract %slice3A_10[0] : f32 from vector<1xf32>
    %slice3A_12 = vector.extract_strided_slice %get3A_3 {offsets = [3], sizes = [1], strides = [1]} : vector<16xf32> to vector<1xf32>
    %squeeze3A_13 = vector.extract %slice3A_12[0] : f32 from vector<1xf32>
    %slice3A_14 = vector.extract_strided_slice %get3A_3 {offsets = [4], sizes = [1], strides = [1]} : vector<16xf32> to vector<1xf32>
    %squeeze3A_15 = vector.extract %slice3A_14[0] : f32 from vector<1xf32>
    %slice3A_16 = vector.extract_strided_slice %get3A_3 {offsets = [5], sizes = [1], strides = [1]} : vector<16xf32> to vector<1xf32>
    %squeeze3A_17 = vector.extract %slice3A_16[0] : f32 from vector<1xf32>
    %slice3A_18 = vector.extract_strided_slice %get3A_3 {offsets = [6], sizes = [1], strides = [1]} : vector<16xf32> to vector<1xf32>
    %squeeze3A_19 = vector.extract %slice3A_18[0] : f32 from vector<1xf32>
    %slice3A_20 = vector.extract_strided_slice %get3A_3 {offsets = [7], sizes = [1], strides = [1]} : vector<16xf32> to vector<1xf32>
    %squeeze3A_21 = vector.extract %slice3A_20[0] : f32 from vector<1xf32>
    %slice3A_22 = vector.extract_strided_slice %get3A_3 {offsets = [8], sizes = [1], strides = [1]} : vector<16xf32> to vector<1xf32>
    %squeeze3A_23 = vector.extract %slice3A_22[0] : f32 from vector<1xf32>
    %slice3A_24 = vector.extract_strided_slice %get3A_3 {offsets = [9], sizes = [1], strides = [1]} : vector<16xf32> to vector<1xf32>
    %squeeze3A_25 = vector.extract %slice3A_24[0] : f32 from vector<1xf32>
    %slice3A_26 = vector.extract_strided_slice %get3A_3 {offsets = [10], sizes = [1], strides = [1]} : vector<16xf32> to vector<1xf32>
    %squeeze3A_27 = vector.extract %slice3A_26[0] : f32 from vector<1xf32>
    %slice3A_28 = vector.extract_strided_slice %get3A_3 {offsets = [11], sizes = [1], strides = [1]} : vector<16xf32> to vector<1xf32>
    %squeeze3A_29 = vector.extract %slice3A_28[0] : f32 from vector<1xf32>
    %slice3A_30 = vector.extract_strided_slice %get3A_5 {offsets = [0], sizes = [1], strides = [1]} : vector<16xf32> to vector<1xf32>
    %squeeze3A_31 = vector.extract %slice3A_30[0] : f32 from vector<1xf32>
    %slice3A_32 = vector.extract_strided_slice %get3A_5 {offsets = [1], sizes = [1], strides = [1]} : vector<16xf32> to vector<1xf32>
    %squeeze3A_33 = vector.extract %slice3A_32[0] : f32 from vector<1xf32>
    %slice3A_34 = vector.extract_strided_slice %get3A_5 {offsets = [2], sizes = [1], strides = [1]} : vector<16xf32> to vector<1xf32>
    %squeeze3A_35 = vector.extract %slice3A_34[0] : f32 from vector<1xf32>
    %slice3A_36 = vector.extract_strided_slice %get3A_5 {offsets = [3], sizes = [1], strides = [1]} : vector<16xf32> to vector<1xf32>
    %squeeze3A_37 = vector.extract %slice3A_36[0] : f32 from vector<1xf32>
    %slice3A_38 = vector.extract_strided_slice %get3A_5 {offsets = [4], sizes = [1], strides = [1]} : vector<16xf32> to vector<1xf32>
    %squeeze3A_39 = vector.extract %slice3A_38[0] : f32 from vector<1xf32>
    %slice3A_40 = vector.extract_strided_slice %get3A_5 {offsets = [5], sizes = [1], strides = [1]} : vector<16xf32> to vector<1xf32>
    %squeeze3A_41 = vector.extract %slice3A_40[0] : f32 from vector<1xf32>
    %slice3A_42 = vector.extract_strided_slice %get3A_5 {offsets = [6], sizes = [1], strides = [1]} : vector<16xf32> to vector<1xf32>
    %squeeze3A_43 = vector.extract %slice3A_42[0] : f32 from vector<1xf32>
    %slice3A_44 = vector.extract_strided_slice %get3A_5 {offsets = [7], sizes = [1], strides = [1]} : vector<16xf32> to vector<1xf32>
    %squeeze3A_45 = vector.extract %slice3A_44[0] : f32 from vector<1xf32>
    %slice3A_46 = vector.extract_strided_slice %get3A_5 {offsets = [8], sizes = [1], strides = [1]} : vector<16xf32> to vector<1xf32>
    %squeeze3A_47 = vector.extract %slice3A_46[0] : f32 from vector<1xf32>
    %bitcast3A = vector.bitcast %get3A_7 : vector<16xf32> to vector<16xi32>
    %broadcast_in_dim3A = arith.constant 0x7F800000 : f32
    %broadcast_in_dim3A_48 = vector.broadcast %broadcast_in_dim3A : f32 to vector<16xf32>
    %broadcast_in_dim3A_49 = arith.constant 0.000000e+00 : f32
    %broadcast_in_dim3A_50 = vector.broadcast %broadcast_in_dim3A_49 : f32 to vector<16xf32>
    %scan3A = arith.constant 0 : i32
    %scan3A_51 = arith.constant 0 : i32
    %scan3A_52 = arith.constant 576 : i32
    %scan3A_53 = arith.addi %scan3A_51, %scan3A_52 : i32
    %scan3A_54 = arith.constant 1 : i32
    scf.for %scan3A_103 = %scan3A_51 to %scan3A_53 step %scan3A_54  : i32 {
      %mul3A_104 = arith.constant 16 : i32
      %mul3A_105 = arith.muli %scan3A_103, %mul3A_104 : i32
      %swap3A_106 = arith.index_cast %mul3A_105 : i32 to index
      %swap3A_107 = tpu.vector_load %arg22[%swap3A_106] {strides = array<i32>} : memref<9216xf32, #tpu.memory_space<vmem>>, vector<16xf32>,
      tpu.vector_store %arg22[%swap3A_106], %broadcast_in_dim3A_48 {strides = array<i32>} : memref<9216xf32, #tpu.memory_space<vmem>>, vector<16xf32>,
      %swap3A_108 = arith.index_cast %mul3A_105 : i32 to index
      %swap3A_109 = tpu.vector_load %arg23[%swap3A_108] {strides = array<i32>} : memref<9216xf32, #tpu.memory_space<vmem>>, vector<16xf32>,
      tpu.vector_store %arg23[%swap3A_108], %broadcast_in_dim3A_50 {strides = array<i32>} : memref<9216xf32, #tpu.memory_space<vmem>>, vector<16xf32>,
      %swap3A_110 = arith.index_cast %mul3A_105 : i32 to index
      %swap3A_111 = tpu.vector_load %arg24[%swap3A_110] {strides = array<i32>} : memref<9216xf32, #tpu.memory_space<vmem>>, vector<16xf32>,
      tpu.vector_store %arg24[%swap3A_110], %broadcast_in_dim3A_50 {strides = array<i32>} : memref<9216xf32, #tpu.memory_space<vmem>>, vector<16xf32>,
      %swap3A_112 = arith.index_cast %mul3A_105 : i32 to index
      %swap3A_113 = tpu.vector_load %arg25[%swap3A_112] {strides = array<i32>} : memref<9216xf32, #tpu.memory_space<vmem>>, vector<16xf32>,
      tpu.vector_store %arg25[%swap3A_112], %broadcast_in_dim3A_50 {strides = array<i32>} : memref<9216xf32, #tpu.memory_space<vmem>>, vector<16xf32>,
      %swap3A_114 = arith.index_cast %mul3A_105 : i32 to index
      %swap3A_115 = tpu.vector_load %arg26[%swap3A_114] {strides = array<i32>} : memref<9216xf32, #tpu.memory_space<vmem>>, vector<16xf32>,
      tpu.vector_store %arg26[%swap3A_114], %broadcast_in_dim3A_50 {strides = array<i32>} : memref<9216xf32, #tpu.memory_space<vmem>>, vector<16xf32>,
    }
    %scan3A_55 = arith.constant 576 : i32
    %broadcast_in_dim3A_56 = arith.constant 0.000000e+00 : f32
    %broadcast_in_dim3A_57 = vector.broadcast %broadcast_in_dim3A_56 : f32 to vector<16xf32>
    %scan3A_58 = arith.constant 0 : i32
    %scan3A_59 = arith.constant 8 : i32
    %scan3A_60 = arith.addi %scan3A_58, %scan3A_59 : i32
    %scan3A_61 = arith.constant 1 : i32
    %scan3A_62 = scf.for %scan3A_103 = %scan3A_58 to %scan3A_60 step %scan3A_61 iter_args(%scan3A_104 = %broadcast_in_dim3A_57) -> (vector<16xf32>)  : i32 {
      %mul3A_105 = arith.constant 4608 : i32
      %mul3A_106 = arith.muli %scan3A_103, %mul3A_105 : i32
      "tpu.region"() ({
        %run_scoped3A = tpu.sem_alloc : memref<!tpu.dma_semaphore, #tpu.memory_space<semaphore_mem>>
        %dma_start3A = tpu.memref_slice %arg2[%mul3A_106] : memref<36864xf32, #tpu.memory_space<hbm>> -> memref<4608xf32, #tpu.memory_space<hbm>>
        %dma_start3A_113 = tpu.memref_slice %arg2[%mul3A_106] : memref<36864xf32, #tpu.memory_space<hbm>> -> memref<4608xf32, #tpu.memory_space<hbm>>
        tpu.enqueue_dma source(%dma_start3A_113 : memref<4608xf32, #tpu.memory_space<hbm>>) target(%arg15 : memref<4608xf32, #tpu.memory_space<vmem>>) target_semaphore(%run_scoped3A : memref<!tpu.dma_semaphore, #tpu.memory_space<semaphore_mem>>)
        %dma_wait3A = tpu.memref_slice %arg2[%mul3A_106] : memref<36864xf32, #tpu.memory_space<hbm>> -> memref<4608xf32, #tpu.memory_space<hbm>>
        %dma_wait3A_114 = tpu.memref_slice %arg2[%mul3A_106] : memref<36864xf32, #tpu.memory_space<hbm>> -> memref<4608xf32, #tpu.memory_space<hbm>>
        tpu.wait_dma2 semaphore(%run_scoped3A : memref<!tpu.dma_semaphore, #tpu.memory_space<semaphore_mem>>) src(%dma_wait3A_114 : memref<4608xf32, #tpu.memory_space<hbm>>) dst(%arg15 : memref<4608xf32, #tpu.memory_space<vmem>>)
        tpu.yield
      }) : () -> ()
      "tpu.region"() ({
        %run_scoped3A = tpu.sem_alloc : memref<!tpu.dma_semaphore, #tpu.memory_space<semaphore_mem>>
        %dma_start3A = tpu.memref_slice %arg3[%mul3A_106] : memref<36864xf32, #tpu.memory_space<hbm>> -> memref<4608xf32, #tpu.memory_space<hbm>>
        %dma_start3A_113 = tpu.memref_slice %arg3[%mul3A_106] : memref<36864xf32, #tpu.memory_space<hbm>> -> memref<4608xf32, #tpu.memory_space<hbm>>
        tpu.enqueue_dma source(%dma_start3A_113 : memref<4608xf32, #tpu.memory_space<hbm>>) target(%arg16 : memref<4608xf32, #tpu.memory_space<vmem>>) target_semaphore(%run_scoped3A : memref<!tpu.dma_semaphore, #tpu.memory_space<semaphore_mem>>)
        %dma_wait3A = tpu.memref_slice %arg3[%mul3A_106] : memref<36864xf32, #tpu.memory_space<hbm>> -> memref<4608xf32, #tpu.memory_space<hbm>>
        %dma_wait3A_114 = tpu.memref_slice %arg3[%mul3A_106] : memref<36864xf32, #tpu.memory_space<hbm>> -> memref<4608xf32, #tpu.memory_space<hbm>>
        tpu.wait_dma2 semaphore(%run_scoped3A : memref<!tpu.dma_semaphore, #tpu.memory_space<semaphore_mem>>) src(%dma_wait3A_114 : memref<4608xf32, #tpu.memory_space<hbm>>) dst(%arg16 : memref<4608xf32, #tpu.memory_space<vmem>>)
        tpu.yield
      }) : () -> ()
      "tpu.region"() ({
        %run_scoped3A = tpu.sem_alloc : memref<!tpu.dma_semaphore, #tpu.memory_space<semaphore_mem>>
        %dma_start3A = tpu.memref_slice %arg4[%mul3A_106] : memref<36864xf32, #tpu.memory_space<hbm>> -> memref<4608xf32, #tpu.memory_space<hbm>>
        %dma_start3A_113 = tpu.memref_slice %arg4[%mul3A_106] : memref<36864xf32, #tpu.memory_space<hbm>> -> memref<4608xf32, #tpu.memory_space<hbm>>
        tpu.enqueue_dma source(%dma_start3A_113 : memref<4608xf32, #tpu.memory_space<hbm>>) target(%arg17 : memref<4608xf32, #tpu.memory_space<vmem>>) target_semaphore(%run_scoped3A : memref<!tpu.dma_semaphore, #tpu.memory_space<semaphore_mem>>)
        %dma_wait3A = tpu.memref_slice %arg4[%mul3A_106] : memref<36864xf32, #tpu.memory_space<hbm>> -> memref<4608xf32, #tpu.memory_space<hbm>>
        %dma_wait3A_114 = tpu.memref_slice %arg4[%mul3A_106] : memref<36864xf32, #tpu.memory_space<hbm>> -> memref<4608xf32, #tpu.memory_space<hbm>>
        tpu.wait_dma2 semaphore(%run_scoped3A : memref<!tpu.dma_semaphore, #tpu.memory_space<semaphore_mem>>) src(%dma_wait3A_114 : memref<4608xf32, #tpu.memory_space<hbm>>) dst(%arg17 : memref<4608xf32, #tpu.memory_space<vmem>>)
        tpu.yield
      }) : () -> ()
      %iota3A = tpu.iota {dimensions = array<i32: 0>} : vector<16xi32>
      %scan3A_107 = arith.constant 0 : i32
      %scan3A_108 = arith.constant 288 : i32
      %scan3A_109 = arith.addi %scan3A_107, %scan3A_108 : i32
      %scan3A_110 = arith.constant 1 : i32
      %scan3A_111 = scf.for %scan3A_113 = %scan3A_107 to %scan3A_109 step %scan3A_110 iter_args(%scan3A_114 = %scan3A_104) -> (vector<16xf32>)  : i32 {
        %mul3A_115 = arith.constant 16 : i32
        %mul3A_116 = arith.muli %scan3A_113, %mul3A_115 : i32
        %get3A_117 = arith.index_cast %mul3A_116 : i32 to index
        %get3A_118 = tpu.vector_load %arg15[%get3A_117] {strides = array<i32>} : memref<4608xf32, #tpu.memory_space<vmem>>, vector<16xf32>,
        %get3A_119 = arith.index_cast %mul3A_116 : i32 to index
        %get3A_120 = tpu.vector_load %arg16[%get3A_119] {strides = array<i32>} : memref<4608xf32, #tpu.memory_space<vmem>>, vector<16xf32>,
        %get3A_121 = arith.index_cast %mul3A_116 : i32 to index
        %get3A_122 = tpu.vector_load %arg17[%get3A_121] {strides = array<i32>} : memref<4608xf32, #tpu.memory_space<vmem>>, vector<16xf32>,
        %mul3A_123 = vector.broadcast %squeeze3A : f32 to vector<16xf32>
        %mul3A_124 = arith.mulf %mul3A_123, %get3A_118 : vector<16xf32>
        %mul3A_125 = vector.broadcast %squeeze3A_9 : f32 to vector<16xf32>
        %mul3A_126 = arith.mulf %mul3A_125, %get3A_120 : vector<16xf32>
        %mul3A_127 = vector.broadcast %squeeze3A_11 : f32 to vector<16xf32>
        %mul3A_128 = arith.mulf %mul3A_127, %get3A_122 : vector<16xf32>
        %mul3A_129 = vector.broadcast %squeeze3A_15 : f32 to vector<16xf32>
        %mul3A_130 = arith.mulf %mul3A_129, %get3A_118 : vector<16xf32>
        %mul3A_131 = vector.broadcast %squeeze3A_17 : f32 to vector<16xf32>
        %mul3A_132 = arith.mulf %mul3A_131, %get3A_120 : vector<16xf32>
        %mul3A_133 = vector.broadcast %squeeze3A_19 : f32 to vector<16xf32>
        %mul3A_134 = arith.mulf %mul3A_133, %get3A_122 : vector<16xf32>
        %mul3A_135 = vector.broadcast %squeeze3A_23 : f32 to vector<16xf32>
        %mul3A_136 = arith.mulf %mul3A_135, %get3A_118 : vector<16xf32>
        %mul3A_137 = vector.broadcast %squeeze3A_25 : f32 to vector<16xf32>
        %mul3A_138 = arith.mulf %mul3A_137, %get3A_120 : vector<16xf32>
        %mul3A_139 = vector.broadcast %squeeze3A_27 : f32 to vector<16xf32>
        %mul3A_140 = arith.mulf %mul3A_139, %get3A_122 : vector<16xf32>
        %add3A_141 = arith.addf %mul3A_124, %mul3A_126 : vector<16xf32>
        %bitcast3A_142 = vector.bitcast %add3A_141 : vector<16xf32> to vector<16xi32>
        %xor3A = arith.xori %bitcast3A_142, %bitcast3A : vector<16xi32>
        %bitcast3A_143 = vector.bitcast %xor3A : vector<16xi32> to vector<16xf32>
        %add3A_144 = vector.broadcast %squeeze3A_13 : f32 to vector<16xf32>
        %add3A_145 = arith.addf %mul3A_128, %add3A_144 : vector<16xf32>
        %bitcast3A_146 = vector.bitcast %add3A_145 : vector<16xf32> to vector<16xi32>
        %xor3A_147 = arith.xori %bitcast3A_146, %bitcast3A : vector<16xi32>
        %bitcast3A_148 = vector.bitcast %xor3A_147 : vector<16xi32> to vector<16xf32>
        %add3A_149 = arith.addf %bitcast3A_143, %bitcast3A_148 : vector<16xf32>
        %add3A_150 = arith.addf %mul3A_130, %mul3A_132 : vector<16xf32>
        %bitcast3A_151 = vector.bitcast %add3A_150 : vector<16xf32> to vector<16xi32>
        %xor3A_152 = arith.xori %bitcast3A_151, %bitcast3A : vector<16xi32>
        %bitcast3A_153 = vector.bitcast %xor3A_152 : vector<16xi32> to vector<16xf32>
        %add3A_154 = vector.broadcast %squeeze3A_21 : f32 to vector<16xf32>
        %add3A_155 = arith.addf %mul3A_134, %add3A_154 : vector<16xf32>
        %bitcast3A_156 = vector.bitcast %add3A_155 : vector<16xf32> to vector<16xi32>
        %xor3A_157 = arith.xori %bitcast3A_156, %bitcast3A : vector<16xi32>
        %bitcast3A_158 = vector.bitcast %xor3A_157 : vector<16xi32> to vector<16xf32>
        %add3A_159 = arith.addf %bitcast3A_153, %bitcast3A_158 : vector<16xf32>
        %add3A_160 = arith.addf %mul3A_136, %mul3A_138 : vector<16xf32>
        %bitcast3A_161 = vector.bitcast %add3A_160 : vector<16xf32> to vector<16xi32>
        %xor3A_162 = arith.xori %bitcast3A_161, %bitcast3A : vector<16xi32>
        %bitcast3A_163 = vector.bitcast %xor3A_162 : vector<16xi32> to vector<16xf32>
        %add3A_164 = vector.broadcast %squeeze3A_29 : f32 to vector<16xf32>
        %add3A_165 = arith.addf %mul3A_140, %add3A_164 : vector<16xf32>
        %bitcast3A_166 = vector.bitcast %add3A_165 : vector<16xf32> to vector<16xi32>
        %xor3A_167 = arith.xori %bitcast3A_166, %bitcast3A : vector<16xi32>
        %bitcast3A_168 = vector.bitcast %xor3A_167 : vector<16xi32> to vector<16xf32>
        %add3A_169 = arith.addf %bitcast3A_163, %bitcast3A_168 : vector<16xf32>
        %mul3A_170 = vector.broadcast %squeeze3A_31 : f32 to vector<16xf32>
        %mul3A_171 = arith.mulf %mul3A_170, %add3A_149 : vector<16xf32>
        %mul3A_172 = vector.broadcast %squeeze3A_33 : f32 to vector<16xf32>
        %mul3A_173 = arith.mulf %mul3A_172, %add3A_159 : vector<16xf32>
        %mul3A_174 = vector.broadcast %squeeze3A_35 : f32 to vector<16xf32>
        %mul3A_175 = arith.mulf %mul3A_174, %add3A_169 : vector<16xf32>
        %mul3A_176 = vector.broadcast %squeeze3A_37 : f32 to vector<16xf32>
        %mul3A_177 = arith.mulf %mul3A_176, %add3A_149 : vector<16xf32>
        %mul3A_178 = vector.broadcast %squeeze3A_39 : f32 to vector<16xf32>
        %mul3A_179 = arith.mulf %mul3A_178, %add3A_159 : vector<16xf32>
        %mul3A_180 = vector.broadcast %squeeze3A_41 : f32 to vector<16xf32>
        %mul3A_181 = arith.mulf %mul3A_180, %add3A_169 : vector<16xf32>
        %mul3A_182 = vector.broadcast %squeeze3A_43 : f32 to vector<16xf32>
        %mul3A_183 = arith.mulf %mul3A_182, %add3A_149 : vector<16xf32>
        %mul3A_184 = vector.broadcast %squeeze3A_45 : f32 to vector<16xf32>
        %mul3A_185 = arith.mulf %mul3A_184, %add3A_159 : vector<16xf32>
        %mul3A_186 = vector.broadcast %squeeze3A_47 : f32 to vector<16xf32>
        %mul3A_187 = arith.mulf %mul3A_186, %add3A_169 : vector<16xf32>
        %add3A_188 = arith.addf %mul3A_171, %mul3A_173 : vector<16xf32>
        %bitcast3A_189 = vector.bitcast %add3A_188 : vector<16xf32> to vector<16xi32>
        %xor3A_190 = arith.xori %bitcast3A_189, %bitcast3A : vector<16xi32>
        %bitcast3A_191 = vector.bitcast %xor3A_190 : vector<16xi32> to vector<16xf32>
        %add3A_192 = arith.addf %bitcast3A_191, %mul3A_175 : vector<16xf32>
        %add3A_193 = arith.addf %mul3A_177, %mul3A_179 : vector<16xf32>
        %bitcast3A_194 = vector.bitcast %add3A_193 : vector<16xf32> to vector<16xi32>
        %xor3A_195 = arith.xori %bitcast3A_194, %bitcast3A : vector<16xi32>
        %bitcast3A_196 = vector.bitcast %xor3A_195 : vector<16xi32> to vector<16xf32>
        %add3A_197 = arith.addf %bitcast3A_196, %mul3A_181 : vector<16xf32>
        %add3A_198 = arith.addf %mul3A_183, %mul3A_185 : vector<16xf32>
        %bitcast3A_199 = vector.bitcast %add3A_198 : vector<16xf32> to vector<16xi32>
        %xor3A_200 = arith.xori %bitcast3A_199, %bitcast3A : vector<16xi32>
        %bitcast3A_201 = vector.bitcast %xor3A_200 : vector<16xi32> to vector<16xf32>
        %add3A_202 = arith.addf %bitcast3A_201, %mul3A_187 : vector<16xf32>
        %bitcast3A_203 = vector.bitcast %add3A_202 : vector<16xf32> to vector<16xi32>
        %xor3A_204 = arith.xori %bitcast3A_203, %bitcast3A : vector<16xi32>
        %bitcast3A_205 = vector.bitcast %xor3A_204 : vector<16xi32> to vector<16xf32>
        %add3A_206 = arith.constant 1.000000e-07 : f32
        %add3A_207 = vector.broadcast %add3A_206 : f32 to vector<16xf32>
        %add3A_208 = arith.addf %bitcast3A_205, %add3A_207 : vector<16xf32>
        %add3A_209 = arith.addf %mul3A_124, %mul3A_126 : vector<16xf32>
        %add3A_210 = arith.addf %mul3A_128, %mul3A_130 : vector<16xf32>
        %add3A_211 = arith.addf %mul3A_132, %mul3A_134 : vector<16xf32>
        %add3A_212 = arith.addf %mul3A_136, %mul3A_138 : vector<16xf32>
        %add3A_213 = arith.addf %mul3A_140, %mul3A_171 : vector<16xf32>
        %add3A_214 = arith.addf %mul3A_173, %mul3A_175 : vector<16xf32>
        %add3A_215 = arith.addf %mul3A_177, %mul3A_179 : vector<16xf32>
        %add3A_216 = arith.addf %mul3A_181, %mul3A_183 : vector<16xf32>
        %add3A_217 = arith.addf %mul3A_185, %mul3A_187 : vector<16xf32>
        %add3A_218 = arith.addf %add3A_209, %add3A_210 : vector<16xf32>
        %add3A_219 = arith.addf %add3A_211, %add3A_212 : vector<16xf32>
        %add3A_220 = arith.addf %add3A_213, %add3A_214 : vector<16xf32>
        %add3A_221 = arith.addf %add3A_215, %add3A_216 : vector<16xf32>
        %add3A_222 = arith.addf %add3A_218, %add3A_219 : vector<16xf32>
        %add3A_223 = arith.addf %add3A_220, %add3A_221 : vector<16xf32>
        %add3A_224 = arith.addf %add3A_222, %add3A_223 : vector<16xf32>
        %add3A_225 = arith.addf %add3A_224, %add3A_217 : vector<16xf32>
        %div3A = arith.divf %add3A_192, %add3A_208 : vector<16xf32>
        %div3A_226 = arith.divf %add3A_197, %add3A_208 : vector<16xf32>
        %max3A = arith.constant 0.000000e+00 : f32
        %max3A_227 = vector.broadcast %max3A : f32 to vector<16xf32>
        %max3A_228 = arith.maximumf %div3A, %max3A_227 : vector<16xf32>
        %min3A = arith.constant 9.500000e+01 : f32
        %min3A_229 = vector.broadcast %min3A : f32 to vector<16xf32>
        %min3A_230 = arith.minimumf %max3A_228, %min3A_229 : vector<16xf32>
        %max3A_231 = arith.constant 0.000000e+00 : f32
        %max3A_232 = vector.broadcast %max3A_231 : f32 to vector<16xf32>
        %max3A_233 = arith.maximumf %div3A_226, %max3A_232 : vector<16xf32>
        %min3A_234 = arith.constant 9.500000e+01 : f32
        %min3A_235 = vector.broadcast %min3A_234 : f32 to vector<16xf32>
        %min3A_236 = arith.minimumf %max3A_233, %min3A_235 : vector<16xf32>
        %convert_element_type3A = arith.fptosi %min3A_236 : vector<16xf32> to vector<16xi32>
        %mul3A_237 = arith.constant 96 : i32
        %mul3A_238 = vector.broadcast %mul3A_237 : i32 to vector<16xi32>
        %mul3A_239 = arith.muli %convert_element_type3A, %mul3A_238 : vector<16xi32>
        %convert_element_type3A_240 = arith.fptosi %min3A_230 : vector<16xf32> to vector<16xi32>
        %add3A_241 = arith.addi %mul3A_239, %convert_element_type3A_240 : vector<16xi32>
        %masked_sort3A = arith.constant dense<true> : vector<16xi1>
        %masked_sort3A_242 = arith.constant -2147483648 : i32
        %masked_sort3A_243 = vector.broadcast %masked_sort3A_242 : i32 to vector<16xi32>
        %masked_sort3A_244 = arith.xori %add3A_241, %masked_sort3A_243 : vector<16xi32>
        %masked_sort3A_245, %masked_sort3A_246, %masked_sort3A_247 = tpu.sort %masked_sort3A_244, %add3A_169 masked %masked_sort3A : (vector<16xi32>, vector<16xf32>, vector<16xi1>) -> (vector<16xi1>, vector<16xi32>, vector<16xf32>)
        %masked_sort3A_248 = arith.xori %masked_sort3A_246, %masked_sort3A_243 : vector<16xi32>
        %sub3A = arith.constant 1 : i32
        %sub3A_249 = vector.broadcast %sub3A : i32 to vector<16xi32>
        %sub3A_250 = arith.subi %iota3A, %sub3A_249 : vector<16xi32>
        %max3A_251 = arith.constant 0 : i32
        %max3A_252 = vector.broadcast %max3A_251 : i32 to vector<16xi32>
        %max3A_253 = arith.maxsi %sub3A_250, %max3A_252 : vector<16xi32>
        %lt3A = arith.constant 0 : i32
        %lt3A_254 = vector.broadcast %lt3A : i32 to vector<16xi32>
        %lt3A_255 = arith.cmpi slt, %max3A_253, %lt3A_254 : vector<16xi32>
        %add3A_256 = arith.constant 16 : i32
        %add3A_257 = vector.broadcast %add3A_256 : i32 to vector<16xi32>
        %add3A_258 = arith.addi %max3A_253, %add3A_257 : vector<16xi32>
        %select_n3A = arith.select %lt3A_255, %add3A_258, %max3A_253 : vector<16xi1>, vector<16xi32>
        %broadcast_in_dim3A_259 = vector.shape_cast %select_n3A : vector<16xi32> to vector<16x1xi32>
        %gather3A = vector.shape_cast %broadcast_in_dim3A_259 : vector<16x1xi32> to vector<16xi32>
        %gather3A_260 = tpu.dynamic_gather %masked_sort3A_248[%gather3A] in [0] : vector<16xi32>, vector<16xi32> -> vector<16xi32>
        %lt3A_261 = arith.constant 0 : i32
        %lt3A_262 = vector.broadcast %lt3A_261 : i32 to vector<16xi32>
        %lt3A_263 = arith.cmpi slt, %max3A_253, %lt3A_262 : vector<16xi32>
        %add3A_264 = arith.constant 16 : i32
        %add3A_265 = vector.broadcast %add3A_264 : i32 to vector<16xi32>
        %add3A_266 = arith.addi %max3A_253, %add3A_265 : vector<16xi32>
        %select_n3A_267 = arith.select %lt3A_263, %add3A_266, %max3A_253 : vector<16xi1>, vector<16xi32>
        %broadcast_in_dim3A_268 = vector.shape_cast %select_n3A_267 : vector<16xi32> to vector<16x1xi32>
        %gather3A_269 = vector.shape_cast %broadcast_in_dim3A_268 : vector<16x1xi32> to vector<16xi32>
        %gather3A_270 = tpu.dynamic_gather %masked_sort3A_247[%gather3A_269] in [0] : vector<16xf32>, vector<16xi32> -> vector<16xf32>
        %eq3A = arith.cmpi eq, %gather3A_260, %masked_sort3A_248 : vector<16xi32>
        %min3A_271 = arith.minimumf %masked_sort3A_247, %gather3A_270 : vector<16xf32>
        %select_n3A_272 = arith.select %eq3A, %min3A_271, %masked_sort3A_247 : vector<16xi1>, vector<16xf32>
        %sub3A_273 = arith.constant 2 : i32
        %sub3A_274 = vector.broadcast %sub3A_273 : i32 to vector<16xi32>
        %sub3A_275 = arith.subi %iota3A, %sub3A_274 : vector<16xi32>
        %max3A_276 = arith.constant 0 : i32
        %max3A_277 = vector.broadcast %max3A_276 : i32 to vector<16xi32>
        %max3A_278 = arith.maxsi %sub3A_275, %max3A_277 : vector<16xi32>
        %lt3A_279 = arith.constant 0 : i32
        %lt3A_280 = vector.broadcast %lt3A_279 : i32 to vector<16xi32>
        %lt3A_281 = arith.cmpi slt, %max3A_278, %lt3A_280 : vector<16xi32>
        %add3A_282 = arith.constant 16 : i32
        %add3A_283 = vector.broadcast %add3A_282 : i32 to vector<16xi32>
        %add3A_284 = arith.addi %max3A_278, %add3A_283 : vector<16xi32>
        %select_n3A_285 = arith.select %lt3A_281, %add3A_284, %max3A_278 : vector<16xi1>, vector<16xi32>
        %broadcast_in_dim3A_286 = vector.shape_cast %select_n3A_285 : vector<16xi32> to vector<16x1xi32>
        %gather3A_287 = vector.shape_cast %broadcast_in_dim3A_286 : vector<16x1xi32> to vector<16xi32>
        %gather3A_288 = tpu.dynamic_gather %masked_sort3A_248[%gather3A_287] in [0] : vector<16xi32>, vector<16xi32> -> vector<16xi32>
        %lt3A_289 = arith.constant 0 : i32
        %lt3A_290 = vector.broadcast %lt3A_289 : i32 to vector<16xi32>
        %lt3A_291 = arith.cmpi slt, %max3A_278, %lt3A_290 : vector<16xi32>
        %add3A_292 = arith.constant 16 : i32
        %add3A_293 = vector.broadcast %add3A_292 : i32 to vector<16xi32>
        %add3A_294 = arith.addi %max3A_278, %add3A_293 : vector<16xi32>
        %select_n3A_295 = arith.select %lt3A_291, %add3A_294, %max3A_278 : vector<16xi1>, vector<16xi32>
        %broadcast_in_dim3A_296 = vector.shape_cast %select_n3A_295 : vector<16xi32> to vector<16x1xi32>
        %gather3A_297 = vector.shape_cast %broadcast_in_dim3A_296 : vector<16x1xi32> to vector<16xi32>
        %gather3A_298 = tpu.dynamic_gather %select_n3A_272[%gather3A_297] in [0] : vector<16xf32>, vector<16xi32> -> vector<16xf32>
        %eq3A_299 = arith.cmpi eq, %gather3A_288, %masked_sort3A_248 : vector<16xi32>
        %min3A_300 = arith.minimumf %select_n3A_272, %gather3A_298 : vector<16xf32>
        %select_n3A_301 = arith.select %eq3A_299, %min3A_300, %select_n3A_272 : vector<16xi1>, vector<16xf32>
        %sub3A_302 = arith.constant 4 : i32
        %sub3A_303 = vector.broadcast %sub3A_302 : i32 to vector<16xi32>
        %sub3A_304 = arith.subi %iota3A, %sub3A_303 : vector<16xi32>
        %max3A_305 = arith.constant 0 : i32
        %max3A_306 = vector.broadcast %max3A_305 : i32 to vector<16xi32>
        %max3A_307 = arith.maxsi %sub3A_304, %max3A_306 : vector<16xi32>
        %lt3A_308 = arith.constant 0 : i32
        %lt3A_309 = vector.broadcast %lt3A_308 : i32 to vector<16xi32>
        %lt3A_310 = arith.cmpi slt, %max3A_307, %lt3A_309 : vector<16xi32>
        %add3A_311 = arith.constant 16 : i32
        %add3A_312 = vector.broadcast %add3A_311 : i32 to vector<16xi32>
        %add3A_313 = arith.addi %max3A_307, %add3A_312 : vector<16xi32>
        %select_n3A_314 = arith.select %lt3A_310, %add3A_313, %max3A_307 : vector<16xi1>, vector<16xi32>
        %broadcast_in_dim3A_315 = vector.shape_cast %select_n3A_314 : vector<16xi32> to vector<16x1xi32>
        %gather3A_316 = vector.shape_cast %broadcast_in_dim3A_315 : vector<16x1xi32> to vector<16xi32>
        %gather3A_317 = tpu.dynamic_gather %masked_sort3A_248[%gather3A_316] in [0] : vector<16xi32>, vector<16xi32> -> vector<16xi32>
        %lt3A_318 = arith.constant 0 : i32
        %lt3A_319 = vector.broadcast %lt3A_318 : i32 to vector<16xi32>
        %lt3A_320 = arith.cmpi slt, %max3A_307, %lt3A_319 : vector<16xi32>
        %add3A_321 = arith.constant 16 : i32
        %add3A_322 = vector.broadcast %add3A_321 : i32 to vector<16xi32>
        %add3A_323 = arith.addi %max3A_307, %add3A_322 : vector<16xi32>
        %select_n3A_324 = arith.select %lt3A_320, %add3A_323, %max3A_307 : vector<16xi1>, vector<16xi32>
        %broadcast_in_dim3A_325 = vector.shape_cast %select_n3A_324 : vector<16xi32> to vector<16x1xi32>
        %gather3A_326 = vector.shape_cast %broadcast_in_dim3A_325 : vector<16x1xi32> to vector<16xi32>
        %gather3A_327 = tpu.dynamic_gather %select_n3A_301[%gather3A_326] in [0] : vector<16xf32>, vector<16xi32> -> vector<16xf32>
        %eq3A_328 = arith.cmpi eq, %gather3A_317, %masked_sort3A_248 : vector<16xi32>
        %min3A_329 = arith.minimumf %select_n3A_301, %gather3A_327 : vector<16xf32>
        %select_n3A_330 = arith.select %eq3A_328, %min3A_329, %select_n3A_301 : vector<16xi1>, vector<16xf32>
        %sub3A_331 = arith.constant 8 : i32
        %sub3A_332 = vector.broadcast %sub3A_331 : i32 to vector<16xi32>
        %sub3A_333 = arith.subi %iota3A, %sub3A_332 : vector<16xi32>
        %max3A_334 = arith.constant 0 : i32
        %max3A_335 = vector.broadcast %max3A_334 : i32 to vector<16xi32>
        %max3A_336 = arith.maxsi %sub3A_333, %max3A_335 : vector<16xi32>
        %lt3A_337 = arith.constant 0 : i32
        %lt3A_338 = vector.broadcast %lt3A_337 : i32 to vector<16xi32>
        %lt3A_339 = arith.cmpi slt, %max3A_336, %lt3A_338 : vector<16xi32>
        %add3A_340 = arith.constant 16 : i32
        %add3A_341 = vector.broadcast %add3A_340 : i32 to vector<16xi32>
        %add3A_342 = arith.addi %max3A_336, %add3A_341 : vector<16xi32>
        %select_n3A_343 = arith.select %lt3A_339, %add3A_342, %max3A_336 : vector<16xi1>, vector<16xi32>
        %broadcast_in_dim3A_344 = vector.shape_cast %select_n3A_343 : vector<16xi32> to vector<16x1xi32>
        %gather3A_345 = vector.shape_cast %broadcast_in_dim3A_344 : vector<16x1xi32> to vector<16xi32>
        %gather3A_346 = tpu.dynamic_gather %masked_sort3A_248[%gather3A_345] in [0] : vector<16xi32>, vector<16xi32> -> vector<16xi32>
        %lt3A_347 = arith.constant 0 : i32
        %lt3A_348 = vector.broadcast %lt3A_347 : i32 to vector<16xi32>
        %lt3A_349 = arith.cmpi slt, %max3A_336, %lt3A_348 : vector<16xi32>
        %add3A_350 = arith.constant 16 : i32
        %add3A_351 = vector.broadcast %add3A_350 : i32 to vector<16xi32>
        %add3A_352 = arith.addi %max3A_336, %add3A_351 : vector<16xi32>
        %select_n3A_353 = arith.select %lt3A_349, %add3A_352, %max3A_336 : vector<16xi1>, vector<16xi32>
        %broadcast_in_dim3A_354 = vector.shape_cast %select_n3A_353 : vector<16xi32> to vector<16x1xi32>
        %gather3A_355 = vector.shape_cast %broadcast_in_dim3A_354 : vector<16x1xi32> to vector<16xi32>
        %gather3A_356 = tpu.dynamic_gather %select_n3A_330[%gather3A_355] in [0] : vector<16xf32>, vector<16xi32> -> vector<16xf32>
        %eq3A_357 = arith.cmpi eq, %gather3A_346, %masked_sort3A_248 : vector<16xi32>
        %min3A_358 = arith.minimumf %select_n3A_330, %gather3A_356 : vector<16xf32>
        %select_n3A_359 = arith.select %eq3A_357, %min3A_358, %select_n3A_330 : vector<16xi1>, vector<16xf32>
        %add3A_360 = arith.constant 1 : i32
        %add3A_361 = vector.broadcast %add3A_360 : i32 to vector<16xi32>
        %add3A_362 = arith.addi %iota3A, %add3A_361 : vector<16xi32>
        %min3A_363 = arith.constant 15 : i32
        %min3A_364 = vector.broadcast %min3A_363 : i32 to vector<16xi32>
        %min3A_365 = arith.minsi %add3A_362, %min3A_364 : vector<16xi32>
        %lt3A_366 = arith.constant 0 : i32
        %lt3A_367 = vector.broadcast %lt3A_366 : i32 to vector<16xi32>
        %lt3A_368 = arith.cmpi slt, %min3A_365, %lt3A_367 : vector<16xi32>
        %add3A_369 = arith.constant 16 : i32
        %add3A_370 = vector.broadcast %add3A_369 : i32 to vector<16xi32>
        %add3A_371 = arith.addi %min3A_365, %add3A_370 : vector<16xi32>
        %select_n3A_372 = arith.select %lt3A_368, %add3A_371, %min3A_365 : vector<16xi1>, vector<16xi32>
        %broadcast_in_dim3A_373 = vector.shape_cast %select_n3A_372 : vector<16xi32> to vector<16x1xi32>
        %gather3A_374 = vector.shape_cast %broadcast_in_dim3A_373 : vector<16x1xi32> to vector<16xi32>
        %gather3A_375 = tpu.dynamic_gather %masked_sort3A_248[%gather3A_374] in [0] : vector<16xi32>, vector<16xi32> -> vector<16xi32>
        %ne3A = arith.cmpi ne, %masked_sort3A_248, %gather3A_375 : vector<16xi32>
        %eq3A_376 = arith.constant 15 : i32
        %eq3A_377 = vector.broadcast %eq3A_376 : i32 to vector<16xi32>
        %eq3A_378 = arith.cmpi eq, %iota3A, %eq3A_377 : vector<16xi32>
        %or3A = arith.ori %ne3A, %eq3A_378 : vector<16xi1>
        %gather3A_379 = tpu.vector_load_idx %arg22[%masked_sort3A_248] : memref<9216xf32, #tpu.memory_space<vmem>>[vector<16xi32>], vector<16xf32>,
        %min3A_380 = arith.minimumf %gather3A_379, %select_n3A_359 : vector<16xf32>
        tpu.vector_store_idx %arg22[%masked_sort3A_248], %min3A_380 masked %or3A : memref<9216xf32, #tpu.memory_space<vmem>>[vector<16xi32>], vector<16xf32>, vector<16xi1>
        %add3A_381 = arith.addf %scan3A_114, %add3A_225 : vector<16xf32>
        scf.yield %add3A_381 : vector<16xf32>
      }
      %scan3A_112 = arith.constant 288 : i32
      scf.yield %scan3A_111 : vector<16xf32>
    }
    %scan3A_63 = arith.constant 8 : i32
    %scan3A_64 = arith.constant 0 : i32
    %scan3A_65 = arith.constant 8 : i32
    %scan3A_66 = arith.addi %scan3A_64, %scan3A_65 : i32
    %scan3A_67 = arith.constant 1 : i32
    %scan3A_68 = scf.for %scan3A_103 = %scan3A_64 to %scan3A_66 step %scan3A_67 iter_args(%scan3A_104 = %scan3A_62) -> (vector<16xf32>)  : i32 {
      %mul3A_105 = arith.constant 4608 : i32
      %mul3A_106 = arith.muli %scan3A_103, %mul3A_105 : i32
      "tpu.region"() ({
        %run_scoped3A = tpu.sem_alloc : memref<!tpu.dma_semaphore, #tpu.memory_space<semaphore_mem>>
        %dma_start3A = tpu.memref_slice %arg2[%mul3A_106] : memref<36864xf32, #tpu.memory_space<hbm>> -> memref<4608xf32, #tpu.memory_space<hbm>>
        %dma_start3A_113 = tpu.memref_slice %arg2[%mul3A_106] : memref<36864xf32, #tpu.memory_space<hbm>> -> memref<4608xf32, #tpu.memory_space<hbm>>
        tpu.enqueue_dma source(%dma_start3A_113 : memref<4608xf32, #tpu.memory_space<hbm>>) target(%arg15 : memref<4608xf32, #tpu.memory_space<vmem>>) target_semaphore(%run_scoped3A : memref<!tpu.dma_semaphore, #tpu.memory_space<semaphore_mem>>)
        %dma_wait3A = tpu.memref_slice %arg2[%mul3A_106] : memref<36864xf32, #tpu.memory_space<hbm>> -> memref<4608xf32, #tpu.memory_space<hbm>>
        %dma_wait3A_114 = tpu.memref_slice %arg2[%mul3A_106] : memref<36864xf32, #tpu.memory_space<hbm>> -> memref<4608xf32, #tpu.memory_space<hbm>>
        tpu.wait_dma2 semaphore(%run_scoped3A : memref<!tpu.dma_semaphore, #tpu.memory_space<semaphore_mem>>) src(%dma_wait3A_114 : memref<4608xf32, #tpu.memory_space<hbm>>) dst(%arg15 : memref<4608xf32, #tpu.memory_space<vmem>>)
        tpu.yield
      }) : () -> ()
      "tpu.region"() ({
        %run_scoped3A = tpu.sem_alloc : memref<!tpu.dma_semaphore, #tpu.memory_space<semaphore_mem>>
        %dma_start3A = tpu.memref_slice %arg3[%mul3A_106] : memref<36864xf32, #tpu.memory_space<hbm>> -> memref<4608xf32, #tpu.memory_space<hbm>>
        %dma_start3A_113 = tpu.memref_slice %arg3[%mul3A_106] : memref<36864xf32, #tpu.memory_space<hbm>> -> memref<4608xf32, #tpu.memory_space<hbm>>
        tpu.enqueue_dma source(%dma_start3A_113 : memref<4608xf32, #tpu.memory_space<hbm>>) target(%arg16 : memref<4608xf32, #tpu.memory_space<vmem>>) target_semaphore(%run_scoped3A : memref<!tpu.dma_semaphore, #tpu.memory_space<semaphore_mem>>)
        %dma_wait3A = tpu.memref_slice %arg3[%mul3A_106] : memref<36864xf32, #tpu.memory_space<hbm>> -> memref<4608xf32, #tpu.memory_space<hbm>>
        %dma_wait3A_114 = tpu.memref_slice %arg3[%mul3A_106] : memref<36864xf32, #tpu.memory_space<hbm>> -> memref<4608xf32, #tpu.memory_space<hbm>>
        tpu.wait_dma2 semaphore(%run_scoped3A : memref<!tpu.dma_semaphore, #tpu.memory_space<semaphore_mem>>) src(%dma_wait3A_114 : memref<4608xf32, #tpu.memory_space<hbm>>) dst(%arg16 : memref<4608xf32, #tpu.memory_space<vmem>>)
        tpu.yield
      }) : () -> ()
      "tpu.region"() ({
        %run_scoped3A = tpu.sem_alloc : memref<!tpu.dma_semaphore, #tpu.memory_space<semaphore_mem>>
        %dma_start3A = tpu.memref_slice %arg4[%mul3A_106] : memref<36864xf32, #tpu.memory_space<hbm>> -> memref<4608xf32, #tpu.memory_space<hbm>>
        %dma_start3A_113 = tpu.memref_slice %arg4[%mul3A_106] : memref<36864xf32, #tpu.memory_space<hbm>> -> memref<4608xf32, #tpu.memory_space<hbm>>
        tpu.enqueue_dma source(%dma_start3A_113 : memref<4608xf32, #tpu.memory_space<hbm>>) target(%arg17 : memref<4608xf32, #tpu.memory_space<vmem>>) target_semaphore(%run_scoped3A : memref<!tpu.dma_semaphore, #tpu.memory_space<semaphore_mem>>)
        %dma_wait3A = tpu.memref_slice %arg4[%mul3A_106] : memref<36864xf32, #tpu.memory_space<hbm>> -> memref<4608xf32, #tpu.memory_space<hbm>>
        %dma_wait3A_114 = tpu.memref_slice %arg4[%mul3A_106] : memref<36864xf32, #tpu.memory_space<hbm>> -> memref<4608xf32, #tpu.memory_space<hbm>>
        tpu.wait_dma2 semaphore(%run_scoped3A : memref<!tpu.dma_semaphore, #tpu.memory_space<semaphore_mem>>) src(%dma_wait3A_114 : memref<4608xf32, #tpu.memory_space<hbm>>) dst(%arg17 : memref<4608xf32, #tpu.memory_space<vmem>>)
        tpu.yield
      }) : () -> ()
      "tpu.region"() ({
        %run_scoped3A = tpu.sem_alloc : memref<!tpu.dma_semaphore, #tpu.memory_space<semaphore_mem>>
        %dma_start3A = tpu.memref_slice %arg5[%mul3A_106] : memref<36864xf32, #tpu.memory_space<hbm>> -> memref<4608xf32, #tpu.memory_space<hbm>>
        %dma_start3A_113 = tpu.memref_slice %arg5[%mul3A_106] : memref<36864xf32, #tpu.memory_space<hbm>> -> memref<4608xf32, #tpu.memory_space<hbm>>
        tpu.enqueue_dma source(%dma_start3A_113 : memref<4608xf32, #tpu.memory_space<hbm>>) target(%arg18 : memref<4608xf32, #tpu.memory_space<vmem>>) target_semaphore(%run_scoped3A : memref<!tpu.dma_semaphore, #tpu.memory_space<semaphore_mem>>)
        %dma_wait3A = tpu.memref_slice %arg5[%mul3A_106] : memref<36864xf32, #tpu.memory_space<hbm>> -> memref<4608xf32, #tpu.memory_space<hbm>>
        %dma_wait3A_114 = tpu.memref_slice %arg5[%mul3A_106] : memref<36864xf32, #tpu.memory_space<hbm>> -> memref<4608xf32, #tpu.memory_space<hbm>>
        tpu.wait_dma2 semaphore(%run_scoped3A : memref<!tpu.dma_semaphore, #tpu.memory_space<semaphore_mem>>) src(%dma_wait3A_114 : memref<4608xf32, #tpu.memory_space<hbm>>) dst(%arg18 : memref<4608xf32, #tpu.memory_space<vmem>>)
        tpu.yield
      }) : () -> ()
      "tpu.region"() ({
        %run_scoped3A = tpu.sem_alloc : memref<!tpu.dma_semaphore, #tpu.memory_space<semaphore_mem>>
        %dma_start3A = tpu.memref_slice %arg6[%mul3A_106] : memref<36864xf32, #tpu.memory_space<hbm>> -> memref<4608xf32, #tpu.memory_space<hbm>>
        %dma_start3A_113 = tpu.memref_slice %arg6[%mul3A_106] : memref<36864xf32, #tpu.memory_space<hbm>> -> memref<4608xf32, #tpu.memory_space<hbm>>
        tpu.enqueue_dma source(%dma_start3A_113 : memref<4608xf32, #tpu.memory_space<hbm>>) target(%arg19 : memref<4608xf32, #tpu.memory_space<vmem>>) target_semaphore(%run_scoped3A : memref<!tpu.dma_semaphore, #tpu.memory_space<semaphore_mem>>)
        %dma_wait3A = tpu.memref_slice %arg6[%mul3A_106] : memref<36864xf32, #tpu.memory_space<hbm>> -> memref<4608xf32, #tpu.memory_space<hbm>>
        %dma_wait3A_114 = tpu.memref_slice %arg6[%mul3A_106] : memref<36864xf32, #tpu.memory_space<hbm>> -> memref<4608xf32, #tpu.memory_space<hbm>>
        tpu.wait_dma2 semaphore(%run_scoped3A : memref<!tpu.dma_semaphore, #tpu.memory_space<semaphore_mem>>) src(%dma_wait3A_114 : memref<4608xf32, #tpu.memory_space<hbm>>) dst(%arg19 : memref<4608xf32, #tpu.memory_space<vmem>>)
        tpu.yield
      }) : () -> ()
      "tpu.region"() ({
        %run_scoped3A = tpu.sem_alloc : memref<!tpu.dma_semaphore, #tpu.memory_space<semaphore_mem>>
        %dma_start3A = tpu.memref_slice %arg7[%mul3A_106] : memref<36864xf32, #tpu.memory_space<hbm>> -> memref<4608xf32, #tpu.memory_space<hbm>>
        %dma_start3A_113 = tpu.memref_slice %arg7[%mul3A_106] : memref<36864xf32, #tpu.memory_space<hbm>> -> memref<4608xf32, #tpu.memory_space<hbm>>
        tpu.enqueue_dma source(%dma_start3A_113 : memref<4608xf32, #tpu.memory_space<hbm>>) target(%arg20 : memref<4608xf32, #tpu.memory_space<vmem>>) target_semaphore(%run_scoped3A : memref<!tpu.dma_semaphore, #tpu.memory_space<semaphore_mem>>)
        %dma_wait3A = tpu.memref_slice %arg7[%mul3A_106] : memref<36864xf32, #tpu.memory_space<hbm>> -> memref<4608xf32, #tpu.memory_space<hbm>>
        %dma_wait3A_114 = tpu.memref_slice %arg7[%mul3A_106] : memref<36864xf32, #tpu.memory_space<hbm>> -> memref<4608xf32, #tpu.memory_space<hbm>>
        tpu.wait_dma2 semaphore(%run_scoped3A : memref<!tpu.dma_semaphore, #tpu.memory_space<semaphore_mem>>) src(%dma_wait3A_114 : memref<4608xf32, #tpu.memory_space<hbm>>) dst(%arg20 : memref<4608xf32, #tpu.memory_space<vmem>>)
        tpu.yield
      }) : () -> ()
      "tpu.region"() ({
        %run_scoped3A = tpu.sem_alloc : memref<!tpu.dma_semaphore, #tpu.memory_space<semaphore_mem>>
        %dma_start3A = tpu.memref_slice %arg8[%mul3A_106] : memref<36864xf32, #tpu.memory_space<hbm>> -> memref<4608xf32, #tpu.memory_space<hbm>>
        %dma_start3A_113 = tpu.memref_slice %arg8[%mul3A_106] : memref<36864xf32, #tpu.memory_space<hbm>> -> memref<4608xf32, #tpu.memory_space<hbm>>
        tpu.enqueue_dma source(%dma_start3A_113 : memref<4608xf32, #tpu.memory_space<hbm>>) target(%arg21 : memref<4608xf32, #tpu.memory_space<vmem>>) target_semaphore(%run_scoped3A : memref<!tpu.dma_semaphore, #tpu.memory_space<semaphore_mem>>)
        %dma_wait3A = tpu.memref_slice %arg8[%mul3A_106] : memref<36864xf32, #tpu.memory_space<hbm>> -> memref<4608xf32, #tpu.memory_space<hbm>>
        %dma_wait3A_114 = tpu.memref_slice %arg8[%mul3A_106] : memref<36864xf32, #tpu.memory_space<hbm>> -> memref<4608xf32, #tpu.memory_space<hbm>>
        tpu.wait_dma2 semaphore(%run_scoped3A : memref<!tpu.dma_semaphore, #tpu.memory_space<semaphore_mem>>) src(%dma_wait3A_114 : memref<4608xf32, #tpu.memory_space<hbm>>) dst(%arg21 : memref<4608xf32, #tpu.memory_space<vmem>>)
        tpu.yield
      }) : () -> ()
      %scan3A_107 = arith.constant 0 : i32
      %scan3A_108 = arith.constant 288 : i32
      %scan3A_109 = arith.addi %scan3A_107, %scan3A_108 : i32
      %scan3A_110 = arith.constant 1 : i32
      %scan3A_111 = scf.for %scan3A_113 = %scan3A_107 to %scan3A_109 step %scan3A_110 iter_args(%scan3A_114 = %scan3A_104) -> (vector<16xf32>)  : i32 {
        %mul3A_115 = arith.constant 16 : i32
        %mul3A_116 = arith.muli %scan3A_113, %mul3A_115 : i32
        %get3A_117 = arith.index_cast %mul3A_116 : i32 to index
        %get3A_118 = tpu.vector_load %arg18[%get3A_117] {strides = array<i32>} : memref<4608xf32, #tpu.memory_space<vmem>>, vector<16xf32>,
        %get3A_119 = arith.index_cast %mul3A_116 : i32 to index
        %get3A_120 = tpu.vector_load %arg15[%get3A_119] {strides = array<i32>} : memref<4608xf32, #tpu.memory_space<vmem>>, vector<16xf32>,
        %get3A_121 = arith.index_cast %mul3A_116 : i32 to index
        %get3A_122 = tpu.vector_load %arg16[%get3A_121] {strides = array<i32>} : memref<4608xf32, #tpu.memory_space<vmem>>, vector<16xf32>,
        %get3A_123 = arith.index_cast %mul3A_116 : i32 to index
        %get3A_124 = tpu.vector_load %arg17[%get3A_123] {strides = array<i32>} : memref<4608xf32, #tpu.memory_space<vmem>>, vector<16xf32>,
        %mul3A_125 = vector.broadcast %squeeze3A : f32 to vector<16xf32>
        %mul3A_126 = arith.mulf %mul3A_125, %get3A_120 : vector<16xf32>
        %mul3A_127 = vector.broadcast %squeeze3A_9 : f32 to vector<16xf32>
        %mul3A_128 = arith.mulf %mul3A_127, %get3A_122 : vector<16xf32>
        %mul3A_129 = vector.broadcast %squeeze3A_11 : f32 to vector<16xf32>
        %mul3A_130 = arith.mulf %mul3A_129, %get3A_124 : vector<16xf32>
        %mul3A_131 = vector.broadcast %squeeze3A_15 : f32 to vector<16xf32>
        %mul3A_132 = arith.mulf %mul3A_131, %get3A_120 : vector<16xf32>
        %mul3A_133 = vector.broadcast %squeeze3A_17 : f32 to vector<16xf32>
        %mul3A_134 = arith.mulf %mul3A_133, %get3A_122 : vector<16xf32>
        %mul3A_135 = vector.broadcast %squeeze3A_19 : f32 to vector<16xf32>
        %mul3A_136 = arith.mulf %mul3A_135, %get3A_124 : vector<16xf32>
        %mul3A_137 = vector.broadcast %squeeze3A_23 : f32 to vector<16xf32>
        %mul3A_138 = arith.mulf %mul3A_137, %get3A_120 : vector<16xf32>
        %mul3A_139 = vector.broadcast %squeeze3A_25 : f32 to vector<16xf32>
        %mul3A_140 = arith.mulf %mul3A_139, %get3A_122 : vector<16xf32>
        %mul3A_141 = vector.broadcast %squeeze3A_27 : f32 to vector<16xf32>
        %mul3A_142 = arith.mulf %mul3A_141, %get3A_124 : vector<16xf32>
        %add3A_143 = arith.addf %mul3A_126, %mul3A_128 : vector<16xf32>
        %bitcast3A_144 = vector.bitcast %add3A_143 : vector<16xf32> to vector<16xi32>
        %xor3A = arith.xori %bitcast3A_144, %bitcast3A : vector<16xi32>
        %bitcast3A_145 = vector.bitcast %xor3A : vector<16xi32> to vector<16xf32>
        %add3A_146 = vector.broadcast %squeeze3A_13 : f32 to vector<16xf32>
        %add3A_147 = arith.addf %mul3A_130, %add3A_146 : vector<16xf32>
        %bitcast3A_148 = vector.bitcast %add3A_147 : vector<16xf32> to vector<16xi32>
        %xor3A_149 = arith.xori %bitcast3A_148, %bitcast3A : vector<16xi32>
        %bitcast3A_150 = vector.bitcast %xor3A_149 : vector<16xi32> to vector<16xf32>
        %add3A_151 = arith.addf %bitcast3A_145, %bitcast3A_150 : vector<16xf32>
        %add3A_152 = arith.addf %mul3A_132, %mul3A_134 : vector<16xf32>
        %bitcast3A_153 = vector.bitcast %add3A_152 : vector<16xf32> to vector<16xi32>
        %xor3A_154 = arith.xori %bitcast3A_153, %bitcast3A : vector<16xi32>
        %bitcast3A_155 = vector.bitcast %xor3A_154 : vector<16xi32> to vector<16xf32>
        %add3A_156 = vector.broadcast %squeeze3A_21 : f32 to vector<16xf32>
        %add3A_157 = arith.addf %mul3A_136, %add3A_156 : vector<16xf32>
        %bitcast3A_158 = vector.bitcast %add3A_157 : vector<16xf32> to vector<16xi32>
        %xor3A_159 = arith.xori %bitcast3A_158, %bitcast3A : vector<16xi32>
        %bitcast3A_160 = vector.bitcast %xor3A_159 : vector<16xi32> to vector<16xf32>
        %add3A_161 = arith.addf %bitcast3A_155, %bitcast3A_160 : vector<16xf32>
        %add3A_162 = arith.addf %mul3A_138, %mul3A_140 : vector<16xf32>
        %bitcast3A_163 = vector.bitcast %add3A_162 : vector<16xf32> to vector<16xi32>
        %xor3A_164 = arith.xori %bitcast3A_163, %bitcast3A : vector<16xi32>
        %bitcast3A_165 = vector.bitcast %xor3A_164 : vector<16xi32> to vector<16xf32>
        %add3A_166 = vector.broadcast %squeeze3A_29 : f32 to vector<16xf32>
        %add3A_167 = arith.addf %mul3A_142, %add3A_166 : vector<16xf32>
        %bitcast3A_168 = vector.bitcast %add3A_167 : vector<16xf32> to vector<16xi32>
        %xor3A_169 = arith.xori %bitcast3A_168, %bitcast3A : vector<16xi32>
        %bitcast3A_170 = vector.bitcast %xor3A_169 : vector<16xi32> to vector<16xf32>
        %add3A_171 = arith.addf %bitcast3A_165, %bitcast3A_170 : vector<16xf32>
        %mul3A_172 = vector.broadcast %squeeze3A_31 : f32 to vector<16xf32>
        %mul3A_173 = arith.mulf %mul3A_172, %add3A_151 : vector<16xf32>
        %mul3A_174 = vector.broadcast %squeeze3A_33 : f32 to vector<16xf32>
        %mul3A_175 = arith.mulf %mul3A_174, %add3A_161 : vector<16xf32>
        %mul3A_176 = vector.broadcast %squeeze3A_35 : f32 to vector<16xf32>
        %mul3A_177 = arith.mulf %mul3A_176, %add3A_171 : vector<16xf32>
        %mul3A_178 = vector.broadcast %squeeze3A_37 : f32 to vector<16xf32>
        %mul3A_179 = arith.mulf %mul3A_178, %add3A_151 : vector<16xf32>
        %mul3A_180 = vector.broadcast %squeeze3A_39 : f32 to vector<16xf32>
        %mul3A_181 = arith.mulf %mul3A_180, %add3A_161 : vector<16xf32>
        %mul3A_182 = vector.broadcast %squeeze3A_41 : f32 to vector<16xf32>
        %mul3A_183 = arith.mulf %mul3A_182, %add3A_171 : vector<16xf32>
        %mul3A_184 = vector.broadcast %squeeze3A_43 : f32 to vector<16xf32>
        %mul3A_185 = arith.mulf %mul3A_184, %add3A_151 : vector<16xf32>
        %mul3A_186 = vector.broadcast %squeeze3A_45 : f32 to vector<16xf32>
        %mul3A_187 = arith.mulf %mul3A_186, %add3A_161 : vector<16xf32>
        %mul3A_188 = vector.broadcast %squeeze3A_47 : f32 to vector<16xf32>
        %mul3A_189 = arith.mulf %mul3A_188, %add3A_171 : vector<16xf32>
        %add3A_190 = arith.addf %mul3A_173, %mul3A_175 : vector<16xf32>
        %bitcast3A_191 = vector.bitcast %add3A_190 : vector<16xf32> to vector<16xi32>
        %xor3A_192 = arith.xori %bitcast3A_191, %bitcast3A : vector<16xi32>
        %bitcast3A_193 = vector.bitcast %xor3A_192 : vector<16xi32> to vector<16xf32>
        %add3A_194 = arith.addf %bitcast3A_193, %mul3A_177 : vector<16xf32>
        %add3A_195 = arith.addf %mul3A_179, %mul3A_181 : vector<16xf32>
        %bitcast3A_196 = vector.bitcast %add3A_195 : vector<16xf32> to vector<16xi32>
        %xor3A_197 = arith.xori %bitcast3A_196, %bitcast3A : vector<16xi32>
        %bitcast3A_198 = vector.bitcast %xor3A_197 : vector<16xi32> to vector<16xf32>
        %add3A_199 = arith.addf %bitcast3A_198, %mul3A_183 : vector<16xf32>
        %add3A_200 = arith.addf %mul3A_185, %mul3A_187 : vector<16xf32>
        %bitcast3A_201 = vector.bitcast %add3A_200 : vector<16xf32> to vector<16xi32>
        %xor3A_202 = arith.xori %bitcast3A_201, %bitcast3A : vector<16xi32>
        %bitcast3A_203 = vector.bitcast %xor3A_202 : vector<16xi32> to vector<16xf32>
        %add3A_204 = arith.addf %bitcast3A_203, %mul3A_189 : vector<16xf32>
        %bitcast3A_205 = vector.bitcast %add3A_204 : vector<16xf32> to vector<16xi32>
        %xor3A_206 = arith.xori %bitcast3A_205, %bitcast3A : vector<16xi32>
        %bitcast3A_207 = vector.bitcast %xor3A_206 : vector<16xi32> to vector<16xf32>
        %add3A_208 = arith.constant 1.000000e-07 : f32
        %add3A_209 = vector.broadcast %add3A_208 : f32 to vector<16xf32>
        %add3A_210 = arith.addf %bitcast3A_207, %add3A_209 : vector<16xf32>
        %add3A_211 = arith.addf %mul3A_126, %mul3A_128 : vector<16xf32>
        %add3A_212 = arith.addf %mul3A_130, %mul3A_132 : vector<16xf32>
        %add3A_213 = arith.addf %mul3A_134, %mul3A_136 : vector<16xf32>
        %add3A_214 = arith.addf %mul3A_138, %mul3A_140 : vector<16xf32>
        %add3A_215 = arith.addf %mul3A_142, %mul3A_173 : vector<16xf32>
        %add3A_216 = arith.addf %mul3A_175, %mul3A_177 : vector<16xf32>
        %add3A_217 = arith.addf %mul3A_179, %mul3A_181 : vector<16xf32>
        %add3A_218 = arith.addf %mul3A_183, %mul3A_185 : vector<16xf32>
        %add3A_219 = arith.addf %mul3A_187, %mul3A_189 : vector<16xf32>
        %add3A_220 = arith.addf %add3A_211, %add3A_212 : vector<16xf32>
        %add3A_221 = arith.addf %add3A_213, %add3A_214 : vector<16xf32>
        %add3A_222 = arith.addf %add3A_215, %add3A_216 : vector<16xf32>
        %add3A_223 = arith.addf %add3A_217, %add3A_218 : vector<16xf32>
        %add3A_224 = arith.addf %add3A_220, %add3A_221 : vector<16xf32>
        %add3A_225 = arith.addf %add3A_222, %add3A_223 : vector<16xf32>
        %add3A_226 = arith.addf %add3A_224, %add3A_225 : vector<16xf32>
        %add3A_227 = arith.addf %add3A_226, %add3A_219 : vector<16xf32>
        %div3A = arith.divf %add3A_194, %add3A_210 : vector<16xf32>
        %div3A_228 = arith.divf %add3A_199, %add3A_210 : vector<16xf32>
        %gt3A = arith.constant 0.000000e+00 : f32
        %gt3A_229 = vector.broadcast %gt3A : f32 to vector<16xf32>
        %gt3A_230 = arith.cmpf ogt, %add3A_171, %gt3A_229 : vector<16xf32>
        %ge3A = arith.constant 0.000000e+00 : f32
        %ge3A_231 = vector.broadcast %ge3A : f32 to vector<16xf32>
        %ge3A_232 = arith.cmpf oge, %div3A, %ge3A_231 : vector<16xf32>
        %and3A = arith.andi %gt3A_230, %ge3A_232 : vector<16xi1>
        %lt3A = arith.constant 9.600000e+01 : f32
        %lt3A_233 = vector.broadcast %lt3A : f32 to vector<16xf32>
        %lt3A_234 = arith.cmpf olt, %div3A, %lt3A_233 : vector<16xf32>
        %and3A_235 = arith.andi %and3A, %lt3A_234 : vector<16xi1>
        %ge3A_236 = arith.constant 0.000000e+00 : f32
        %ge3A_237 = vector.broadcast %ge3A_236 : f32 to vector<16xf32>
        %ge3A_238 = arith.cmpf oge, %div3A_228, %ge3A_237 : vector<16xf32>
        %and3A_239 = arith.andi %and3A_235, %ge3A_238 : vector<16xi1>
        %lt3A_240 = arith.constant 9.600000e+01 : f32
        %lt3A_241 = vector.broadcast %lt3A_240 : f32 to vector<16xf32>
        %lt3A_242 = arith.cmpf olt, %div3A_228, %lt3A_241 : vector<16xf32>
        %and3A_243 = arith.andi %and3A_239, %lt3A_242 : vector<16xi1>
        %ge3A_244 = arith.constant 5.000000e-01 : f32
        %ge3A_245 = vector.broadcast %ge3A_244 : f32 to vector<16xf32>
        %ge3A_246 = arith.cmpf oge, %get3A_118, %ge3A_245 : vector<16xf32>
        %and3A_247 = arith.andi %and3A_243, %ge3A_246 : vector<16xi1>
        %max3A = arith.constant 0.000000e+00 : f32
        %max3A_248 = vector.broadcast %max3A : f32 to vector<16xf32>
        %max3A_249 = arith.maximumf %div3A, %max3A_248 : vector<16xf32>
        %min3A = arith.constant 9.500000e+01 : f32
        %min3A_250 = vector.broadcast %min3A : f32 to vector<16xf32>
        %min3A_251 = arith.minimumf %max3A_249, %min3A_250 : vector<16xf32>
        %max3A_252 = arith.constant 0.000000e+00 : f32
        %max3A_253 = vector.broadcast %max3A_252 : f32 to vector<16xf32>
        %max3A_254 = arith.maximumf %div3A_228, %max3A_253 : vector<16xf32>
        %min3A_255 = arith.constant 9.500000e+01 : f32
        %min3A_256 = vector.broadcast %min3A_255 : f32 to vector<16xf32>
        %min3A_257 = arith.minimumf %max3A_254, %min3A_256 : vector<16xf32>
        %convert_element_type3A = arith.fptosi %min3A_251 : vector<16xf32> to vector<16xi32>
        %convert_element_type3A_258 = arith.fptosi %min3A_257 : vector<16xf32> to vector<16xi32>
        %mul3A_259 = arith.constant 96 : i32
        %mul3A_260 = vector.broadcast %mul3A_259 : i32 to vector<16xi32>
        %mul3A_261 = arith.muli %convert_element_type3A_258, %mul3A_260 : vector<16xi32>
        %add3A_262 = arith.addi %mul3A_261, %convert_element_type3A : vector<16xi32>
        %gather3A = tpu.vector_load_idx %arg22[%add3A_262] : memref<9216xf32, #tpu.memory_space<vmem>>[vector<16xi32>], vector<16xf32>,
        %eq3A = arith.cmpf oeq, %add3A_171, %gather3A : vector<16xf32>
        %and3A_263 = arith.andi %eq3A, %and3A_247 : vector<16xi1>
        %convert_element_type3A_264 = arith.extui %and3A_263 : vector<16xi1> to vector<16xi32>
        %reduce_sum3A = arith.constant true
        %reduce_sum3A_265 = vector.broadcast %reduce_sum3A : i1 to vector<16xi1>
        %reduce_sum3A_266 = tpu.scan <sum>, %convert_element_type3A_264 masked %reduce_sum3A_265 : vector<16xi32>, vector<16xi1> -> vector<16xi32>
        %reduce_sum3A_267 = vector.extract %reduce_sum3A_266[15] : i32 from vector<16xi32>
        %gt3A_268 = arith.constant 0 : i32
        %gt3A_269 = arith.cmpi sgt, %reduce_sum3A_267, %gt3A_268 : i32
        %convert_element_type3A_270 = arith.extui %gt3A_269 : i1 to i32
        %cond3A = arith.constant 0 : i32
        %cond3A_271 = arith.cmpi ne, %convert_element_type3A_270, %cond3A : i32
        scf.if %cond3A_271 {
          %get3A_273 = arith.index_cast %mul3A_116 : i32 to index
          %get3A_274 = tpu.vector_load %arg19[%get3A_273] {strides = array<i32>} : memref<4608xf32, #tpu.memory_space<vmem>>, vector<16xf32>,
          %get3A_275 = arith.index_cast %mul3A_116 : i32 to index
          %get3A_276 = tpu.vector_load %arg20[%get3A_275] {strides = array<i32>} : memref<4608xf32, #tpu.memory_space<vmem>>, vector<16xf32>,
          %get3A_277 = arith.index_cast %mul3A_116 : i32 to index
          %get3A_278 = tpu.vector_load %arg21[%get3A_277] {strides = array<i32>} : memref<4608xf32, #tpu.memory_space<vmem>>, vector<16xf32>,
          %convert_element_type3A_279 = arith.sitofp %convert_element_type3A : vector<16xi32> to vector<16xf32>
          %sub3A = arith.subf %min3A_251, %convert_element_type3A_279 : vector<16xf32>
          %convert_element_type3A_280 = arith.sitofp %convert_element_type3A_258 : vector<16xi32> to vector<16xf32>
          %sub3A_281 = arith.subf %min3A_257, %convert_element_type3A_280 : vector<16xf32>
          %lt3A_282 = arith.constant 95 : i32
          %lt3A_283 = vector.broadcast %lt3A_282 : i32 to vector<16xi32>
          %lt3A_284 = arith.cmpi slt, %convert_element_type3A, %lt3A_283 : vector<16xi32>
          %jit3A = arith.constant 1 : i32
          %jit3A_285 = arith.constant 0 : i32
          %broadcast_in_dim3A_286 = vector.broadcast %jit3A : i32 to vector<16xi32>
          %broadcast_in_dim3A_287 = vector.broadcast %jit3A_285 : i32 to vector<16xi32>
          %select_n3A = arith.select %lt3A_284, %broadcast_in_dim3A_286, %broadcast_in_dim3A_287 : vector<16xi1>, vector<16xi32>
          %lt3A_288 = arith.constant 95 : i32
          %lt3A_289 = vector.broadcast %lt3A_288 : i32 to vector<16xi32>
          %lt3A_290 = arith.cmpi slt, %convert_element_type3A_258, %lt3A_289 : vector<16xi32>
          %jit3A_291 = arith.constant 96 : i32
          %jit3A_292 = arith.constant 0 : i32
          %broadcast_in_dim3A_293 = vector.broadcast %jit3A_291 : i32 to vector<16xi32>
          %broadcast_in_dim3A_294 = vector.broadcast %jit3A_292 : i32 to vector<16xi32>
          %select_n3A_295 = arith.select %lt3A_290, %broadcast_in_dim3A_293, %broadcast_in_dim3A_294 : vector<16xi1>, vector<16xi32>
          %sub3A_296 = arith.constant 1.000000e+00 : f32
          %sub3A_297 = vector.broadcast %sub3A_296 : f32 to vector<16xf32>
          %sub3A_298 = arith.subf %sub3A_297, %sub3A : vector<16xf32>
          %sub3A_299 = arith.constant 1.000000e+00 : f32
          %sub3A_300 = vector.broadcast %sub3A_299 : f32 to vector<16xf32>
          %sub3A_301 = arith.subf %sub3A_300, %sub3A_281 : vector<16xf32>
          %mul3A_302 = arith.mulf %sub3A_298, %sub3A_301 : vector<16xf32>
          %sub3A_303 = arith.constant 1.000000e+00 : f32
          %sub3A_304 = vector.broadcast %sub3A_303 : f32 to vector<16xf32>
          %sub3A_305 = arith.subf %sub3A_304, %sub3A : vector<16xf32>
          %mul3A_306 = arith.mulf %sub3A_305, %sub3A_281 : vector<16xf32>
          %sub3A_307 = arith.constant 1.000000e+00 : f32
          %sub3A_308 = vector.broadcast %sub3A_307 : f32 to vector<16xf32>
          %sub3A_309 = arith.subf %sub3A_308, %sub3A_281 : vector<16xf32>
          %mul3A_310 = arith.mulf %sub3A, %sub3A_309 : vector<16xf32>
          %mul3A_311 = arith.mulf %sub3A, %sub3A_281 : vector<16xf32>
          %add3A_312 = arith.addi %add3A_262, %select_n3A_295 : vector<16xi32>
          %add3A_313 = arith.addi %add3A_262, %select_n3A : vector<16xi32>
          %add3A_314 = arith.addi %add3A_262, %select_n3A : vector<16xi32>
          %add3A_315 = arith.addi %add3A_314, %select_n3A_295 : vector<16xi32>
          %mul3A_316 = arith.mulf %mul3A_302, %get3A_274 : vector<16xf32>
          tpu.vector_store_idx %arg23[%add3A_262], %mul3A_316 masked %and3A_263 {add = true} : memref<9216xf32, #tpu.memory_space<vmem>>[vector<16xi32>], vector<16xf32>, vector<16xi1>
          %mul3A_317 = arith.mulf %mul3A_302, %get3A_276 : vector<16xf32>
          tpu.vector_store_idx %arg24[%add3A_262], %mul3A_317 masked %and3A_263 {add = true} : memref<9216xf32, #tpu.memory_space<vmem>>[vector<16xi32>], vector<16xf32>, vector<16xi1>
          %mul3A_318 = arith.mulf %mul3A_302, %get3A_278 : vector<16xf32>
          tpu.vector_store_idx %arg25[%add3A_262], %mul3A_318 masked %and3A_263 {add = true} : memref<9216xf32, #tpu.memory_space<vmem>>[vector<16xi32>], vector<16xf32>, vector<16xi1>
          %mul3A_319 = arith.mulf %mul3A_302, %get3A_118 : vector<16xf32>
          tpu.vector_store_idx %arg26[%add3A_262], %mul3A_319 masked %and3A_263 {add = true} : memref<9216xf32, #tpu.memory_space<vmem>>[vector<16xi32>], vector<16xf32>, vector<16xi1>
          %mul3A_320 = arith.mulf %mul3A_306, %get3A_274 : vector<16xf32>
          tpu.vector_store_idx %arg23[%add3A_312], %mul3A_320 masked %and3A_263 {add = true} : memref<9216xf32, #tpu.memory_space<vmem>>[vector<16xi32>], vector<16xf32>, vector<16xi1>
          %mul3A_321 = arith.mulf %mul3A_306, %get3A_276 : vector<16xf32>
          tpu.vector_store_idx %arg24[%add3A_312], %mul3A_321 masked %and3A_263 {add = true} : memref<9216xf32, #tpu.memory_space<vmem>>[vector<16xi32>], vector<16xf32>, vector<16xi1>
          %mul3A_322 = arith.mulf %mul3A_306, %get3A_278 : vector<16xf32>
          tpu.vector_store_idx %arg25[%add3A_312], %mul3A_322 masked %and3A_263 {add = true} : memref<9216xf32, #tpu.memory_space<vmem>>[vector<16xi32>], vector<16xf32>, vector<16xi1>
          %mul3A_323 = arith.mulf %mul3A_306, %get3A_118 : vector<16xf32>
          tpu.vector_store_idx %arg26[%add3A_312], %mul3A_323 masked %and3A_263 {add = true} : memref<9216xf32, #tpu.memory_space<vmem>>[vector<16xi32>], vector<16xf32>, vector<16xi1>
          %mul3A_324 = arith.mulf %mul3A_310, %get3A_274 : vector<16xf32>
          tpu.vector_store_idx %arg23[%add3A_313], %mul3A_324 masked %and3A_263 {add = true} : memref<9216xf32, #tpu.memory_space<vmem>>[vector<16xi32>], vector<16xf32>, vector<16xi1>
          %mul3A_325 = arith.mulf %mul3A_310, %get3A_276 : vector<16xf32>
          tpu.vector_store_idx %arg24[%add3A_313], %mul3A_325 masked %and3A_263 {add = true} : memref<9216xf32, #tpu.memory_space<vmem>>[vector<16xi32>], vector<16xf32>, vector<16xi1>
          %mul3A_326 = arith.mulf %mul3A_310, %get3A_278 : vector<16xf32>
          tpu.vector_store_idx %arg25[%add3A_313], %mul3A_326 masked %and3A_263 {add = true} : memref<9216xf32, #tpu.memory_space<vmem>>[vector<16xi32>], vector<16xf32>, vector<16xi1>
          %mul3A_327 = arith.mulf %mul3A_310, %get3A_118 : vector<16xf32>
          tpu.vector_store_idx %arg26[%add3A_313], %mul3A_327 masked %and3A_263 {add = true} : memref<9216xf32, #tpu.memory_space<vmem>>[vector<16xi32>], vector<16xf32>, vector<16xi1>
          %mul3A_328 = arith.mulf %mul3A_311, %get3A_274 : vector<16xf32>
          tpu.vector_store_idx %arg23[%add3A_315], %mul3A_328 masked %and3A_263 {add = true} : memref<9216xf32, #tpu.memory_space<vmem>>[vector<16xi32>], vector<16xf32>, vector<16xi1>
          %mul3A_329 = arith.mulf %mul3A_311, %get3A_276 : vector<16xf32>
          tpu.vector_store_idx %arg24[%add3A_315], %mul3A_329 masked %and3A_263 {add = true} : memref<9216xf32, #tpu.memory_space<vmem>>[vector<16xi32>], vector<16xf32>, vector<16xi1>
          %mul3A_330 = arith.mulf %mul3A_311, %get3A_278 : vector<16xf32>
          tpu.vector_store_idx %arg25[%add3A_315], %mul3A_330 masked %and3A_263 {add = true} : memref<9216xf32, #tpu.memory_space<vmem>>[vector<16xi32>], vector<16xf32>, vector<16xi1>
          %mul3A_331 = arith.mulf %mul3A_311, %get3A_118 : vector<16xf32>
          tpu.vector_store_idx %arg26[%add3A_315], %mul3A_331 masked %and3A_263 {add = true} : memref<9216xf32, #tpu.memory_space<vmem>>[vector<16xi32>], vector<16xf32>, vector<16xi1>
        } else {
        }
        %add3A_272 = arith.addf %scan3A_114, %add3A_227 : vector<16xf32>
        scf.yield %add3A_272 : vector<16xf32>
      }
      %scan3A_112 = arith.constant 288 : i32
      scf.yield %scan3A_111 : vector<16xf32>
    }
    %scan3A_69 = arith.constant 8 : i32
    %scan3A_70 = arith.constant 0 : i32
    %scan3A_71 = arith.constant 0 : i32
    %scan3A_72 = arith.constant 576 : i32
    %scan3A_73 = arith.addi %scan3A_71, %scan3A_72 : i32
    %scan3A_74 = arith.constant 1 : i32
    scf.for %scan3A_103 = %scan3A_71 to %scan3A_73 step %scan3A_74  : i32 {
      %mul3A_104 = arith.constant 16 : i32
      %mul3A_105 = arith.muli %scan3A_103, %mul3A_104 : i32
      %get3A_106 = arith.index_cast %mul3A_105 : i32 to index
      %get3A_107 = tpu.vector_load %arg23[%get3A_106] {strides = array<i32>} : memref<9216xf32, #tpu.memory_space<vmem>>, vector<16xf32>,
      %get3A_108 = arith.index_cast %mul3A_105 : i32 to index
      %get3A_109 = tpu.vector_load %arg24[%get3A_108] {strides = array<i32>} : memref<9216xf32, #tpu.memory_space<vmem>>, vector<16xf32>,
      %get3A_110 = arith.index_cast %mul3A_105 : i32 to index
      %get3A_111 = tpu.vector_load %arg25[%get3A_110] {strides = array<i32>} : memref<9216xf32, #tpu.memory_space<vmem>>, vector<16xf32>,
      %get3A_112 = arith.index_cast %mul3A_105 : i32 to index
      %get3A_113 = tpu.vector_load %arg22[%get3A_112] {strides = array<i32>} : memref<9216xf32, #tpu.memory_space<vmem>>, vector<16xf32>,
      %gt3A = arith.constant 1.000000e+00 : f32
      %gt3A_114 = vector.broadcast %gt3A : f32 to vector<16xf32>
      %gt3A_115 = arith.cmpf ogt, %get3A_107, %gt3A_114 : vector<16xf32>
      %gt3A_116 = arith.constant 1.000000e+00 : f32
      %gt3A_117 = vector.broadcast %gt3A_116 : f32 to vector<16xf32>
      %gt3A_118 = arith.cmpf ogt, %get3A_109, %gt3A_117 : vector<16xf32>
      %or3A = arith.ori %gt3A_115, %gt3A_118 : vector<16xi1>
      %gt3A_119 = arith.constant 1.000000e+00 : f32
      %gt3A_120 = vector.broadcast %gt3A_119 : f32 to vector<16xf32>
      %gt3A_121 = arith.cmpf ogt, %get3A_111, %gt3A_120 : vector<16xf32>
      %or3A_122 = arith.ori %or3A, %gt3A_121 : vector<16xi1>
      %max3A = arith.constant 0.000000e+00 : f32
      %max3A_123 = vector.broadcast %max3A : f32 to vector<16xf32>
      %max3A_124 = arith.maximumf %get3A_107, %max3A_123 : vector<16xf32>
      %min3A = arith.constant 1.000000e+00 : f32
      %min3A_125 = vector.broadcast %min3A : f32 to vector<16xf32>
      %min3A_126 = arith.minimumf %max3A_124, %min3A_125 : vector<16xf32>
      %swap3A_127 = arith.index_cast %mul3A_105 : i32 to index
      %swap3A_128 = tpu.vector_load %arg23[%swap3A_127] {strides = array<i32>} : memref<9216xf32, #tpu.memory_space<vmem>>, vector<16xf32>,
      tpu.vector_store %arg23[%swap3A_127], %min3A_126 {strides = array<i32>} : memref<9216xf32, #tpu.memory_space<vmem>>, vector<16xf32>,
      %max3A_129 = arith.constant 0.000000e+00 : f32
      %max3A_130 = vector.broadcast %max3A_129 : f32 to vector<16xf32>
      %max3A_131 = arith.maximumf %get3A_109, %max3A_130 : vector<16xf32>
      %min3A_132 = arith.constant 1.000000e+00 : f32
      %min3A_133 = vector.broadcast %min3A_132 : f32 to vector<16xf32>
      %min3A_134 = arith.minimumf %max3A_131, %min3A_133 : vector<16xf32>
      %swap3A_135 = arith.index_cast %mul3A_105 : i32 to index
      %swap3A_136 = tpu.vector_load %arg24[%swap3A_135] {strides = array<i32>} : memref<9216xf32, #tpu.memory_space<vmem>>, vector<16xf32>,
      tpu.vector_store %arg24[%swap3A_135], %min3A_134 {strides = array<i32>} : memref<9216xf32, #tpu.memory_space<vmem>>, vector<16xf32>,
      %max3A_137 = arith.constant 0.000000e+00 : f32
      %max3A_138 = vector.broadcast %max3A_137 : f32 to vector<16xf32>
      %max3A_139 = arith.maximumf %get3A_111, %max3A_138 : vector<16xf32>
      %min3A_140 = arith.constant 1.000000e+00 : f32
      %min3A_141 = vector.broadcast %min3A_140 : f32 to vector<16xf32>
      %min3A_142 = arith.minimumf %max3A_139, %min3A_141 : vector<16xf32>
      %swap3A_143 = arith.index_cast %mul3A_105 : i32 to index
      %swap3A_144 = tpu.vector_load %arg25[%swap3A_143] {strides = array<i32>} : memref<9216xf32, #tpu.memory_space<vmem>>, vector<16xf32>,
      tpu.vector_store %arg25[%swap3A_143], %min3A_142 {strides = array<i32>} : memref<9216xf32, #tpu.memory_space<vmem>>, vector<16xf32>,
      %lt3A = arith.constant 0x7F800000 : f32
      %lt3A_145 = vector.broadcast %lt3A : f32 to vector<16xf32>
      %lt3A_146 = arith.cmpf olt, %get3A_113, %lt3A_145 : vector<16xf32>
      %not3A = arith.constant dense<true> : vector<16xi1>
      %not3A_147 = arith.xori %or3A_122, %not3A : vector<16xi1>
      %and3A = arith.andi %lt3A_146, %not3A_147 : vector<16xi1>
      %jit3A = arith.constant 1.000000e+00 : f32
      %jit3A_148 = arith.constant 0.000000e+00 : f32
      %broadcast_in_dim3A_149 = vector.broadcast %jit3A : f32 to vector<16xf32>
      %broadcast_in_dim3A_150 = vector.broadcast %jit3A_148 : f32 to vector<16xf32>
      %select_n3A = arith.select %and3A, %broadcast_in_dim3A_149, %broadcast_in_dim3A_150 : vector<16xi1>, vector<16xf32>
      %swap3A_151 = arith.index_cast %mul3A_105 : i32 to index
      %swap3A_152 = tpu.vector_load %arg27[%swap3A_151] {strides = array<i32>} : memref<9216xf32, #tpu.memory_space<vmem>>, vector<16xf32>,
      tpu.vector_store %arg27[%swap3A_151], %select_n3A {strides = array<i32>} : memref<9216xf32, #tpu.memory_space<vmem>>, vector<16xf32>,
    }
    %scan3A_75 = arith.constant 576 : i32
    %mul3A_76 = arith.constant 3 : i32
    %mul3A_77 = arith.muli %add3A, %mul3A_76 : i32
    %add3A_78 = arith.constant 0 : i32
    %add3A_79 = arith.addi %mul3A_77, %add3A_78 : i32
    %mul3A_80 = arith.constant 9216 : i32
    %mul3A_81 = arith.muli %add3A_79, %mul3A_80 : i32
    "tpu.region"() ({
      %run_scoped3A = tpu.sem_alloc : memref<!tpu.dma_semaphore, #tpu.memory_space<semaphore_mem>>
      %dma_start3A = tpu.memref_slice %arg10[%mul3A_81] : memref<884736xf32, #tpu.memory_space<hbm>> -> memref<9216xf32, #tpu.memory_space<hbm>>
      %dma_start3A_103 = tpu.memref_slice %arg10[%mul3A_81] : memref<884736xf32, #tpu.memory_space<hbm>> -> memref<9216xf32, #tpu.memory_space<hbm>>
      tpu.enqueue_dma source(%arg23 : memref<9216xf32, #tpu.memory_space<vmem>>) target(%dma_start3A_103 : memref<9216xf32, #tpu.memory_space<hbm>>) target_semaphore(%run_scoped3A : memref<!tpu.dma_semaphore, #tpu.memory_space<semaphore_mem>>)
      %dma_wait3A = tpu.memref_slice %arg10[%mul3A_81] : memref<884736xf32, #tpu.memory_space<hbm>> -> memref<9216xf32, #tpu.memory_space<hbm>>
      %dma_wait3A_104 = tpu.memref_slice %arg10[%mul3A_81] : memref<884736xf32, #tpu.memory_space<hbm>> -> memref<9216xf32, #tpu.memory_space<hbm>>
      tpu.wait_dma2 semaphore(%run_scoped3A : memref<!tpu.dma_semaphore, #tpu.memory_space<semaphore_mem>>) src(%arg23 : memref<9216xf32, #tpu.memory_space<vmem>>) dst(%dma_wait3A_104 : memref<9216xf32, #tpu.memory_space<hbm>>)
      tpu.yield
    }) : () -> ()
    %mul3A_82 = arith.constant 3 : i32
    %mul3A_83 = arith.muli %add3A, %mul3A_82 : i32
    %add3A_84 = arith.constant 1 : i32
    %add3A_85 = arith.addi %mul3A_83, %add3A_84 : i32
    %mul3A_86 = arith.constant 9216 : i32
    %mul3A_87 = arith.muli %add3A_85, %mul3A_86 : i32
    "tpu.region"() ({
      %run_scoped3A = tpu.sem_alloc : memref<!tpu.dma_semaphore, #tpu.memory_space<semaphore_mem>>
      %dma_start3A = tpu.memref_slice %arg10[%mul3A_87] : memref<884736xf32, #tpu.memory_space<hbm>> -> memref<9216xf32, #tpu.memory_space<hbm>>
      %dma_start3A_103 = tpu.memref_slice %arg10[%mul3A_87] : memref<884736xf32, #tpu.memory_space<hbm>> -> memref<9216xf32, #tpu.memory_space<hbm>>
      tpu.enqueue_dma source(%arg24 : memref<9216xf32, #tpu.memory_space<vmem>>) target(%dma_start3A_103 : memref<9216xf32, #tpu.memory_space<hbm>>) target_semaphore(%run_scoped3A : memref<!tpu.dma_semaphore, #tpu.memory_space<semaphore_mem>>)
      %dma_wait3A = tpu.memref_slice %arg10[%mul3A_87] : memref<884736xf32, #tpu.memory_space<hbm>> -> memref<9216xf32, #tpu.memory_space<hbm>>
      %dma_wait3A_104 = tpu.memref_slice %arg10[%mul3A_87] : memref<884736xf32, #tpu.memory_space<hbm>> -> memref<9216xf32, #tpu.memory_space<hbm>>
      tpu.wait_dma2 semaphore(%run_scoped3A : memref<!tpu.dma_semaphore, #tpu.memory_space<semaphore_mem>>) src(%arg24 : memref<9216xf32, #tpu.memory_space<vmem>>) dst(%dma_wait3A_104 : memref<9216xf32, #tpu.memory_space<hbm>>)
      tpu.yield
    }) : () -> ()
    %mul3A_88 = arith.constant 3 : i32
    %mul3A_89 = arith.muli %add3A, %mul3A_88 : i32
    %add3A_90 = arith.constant 2 : i32
    %add3A_91 = arith.addi %mul3A_89, %add3A_90 : i32
    %mul3A_92 = arith.constant 9216 : i32
    %mul3A_93 = arith.muli %add3A_91, %mul3A_92 : i32
    "tpu.region"() ({
      %run_scoped3A = tpu.sem_alloc : memref<!tpu.dma_semaphore, #tpu.memory_space<semaphore_mem>>
      %dma_start3A = tpu.memref_slice %arg10[%mul3A_93] : memref<884736xf32, #tpu.memory_space<hbm>> -> memref<9216xf32, #tpu.memory_space<hbm>>
      %dma_start3A_103 = tpu.memref_slice %arg10[%mul3A_93] : memref<884736xf32, #tpu.memory_space<hbm>> -> memref<9216xf32, #tpu.memory_space<hbm>>
      tpu.enqueue_dma source(%arg25 : memref<9216xf32, #tpu.memory_space<vmem>>) target(%dma_start3A_103 : memref<9216xf32, #tpu.memory_space<hbm>>) target_semaphore(%run_scoped3A : memref<!tpu.dma_semaphore, #tpu.memory_space<semaphore_mem>>)
      %dma_wait3A = tpu.memref_slice %arg10[%mul3A_93] : memref<884736xf32, #tpu.memory_space<hbm>> -> memref<9216xf32, #tpu.memory_space<hbm>>
      %dma_wait3A_104 = tpu.memref_slice %arg10[%mul3A_93] : memref<884736xf32, #tpu.memory_space<hbm>> -> memref<9216xf32, #tpu.memory_space<hbm>>
      tpu.wait_dma2 semaphore(%run_scoped3A : memref<!tpu.dma_semaphore, #tpu.memory_space<semaphore_mem>>) src(%arg25 : memref<9216xf32, #tpu.memory_space<vmem>>) dst(%dma_wait3A_104 : memref<9216xf32, #tpu.memory_space<hbm>>)
      tpu.yield
    }) : () -> ()
    %mul3A_94 = arith.constant 9216 : i32
    %mul3A_95 = arith.muli %add3A, %mul3A_94 : i32
    "tpu.region"() ({
      %run_scoped3A = tpu.sem_alloc : memref<!tpu.dma_semaphore, #tpu.memory_space<semaphore_mem>>
      %dma_start3A = tpu.memref_slice %arg11[%mul3A_95] : memref<294912xf32, #tpu.memory_space<hbm>> -> memref<9216xf32, #tpu.memory_space<hbm>>
      %dma_start3A_103 = tpu.memref_slice %arg11[%mul3A_95] : memref<294912xf32, #tpu.memory_space<hbm>> -> memref<9216xf32, #tpu.memory_space<hbm>>
      tpu.enqueue_dma source(%arg22 : memref<9216xf32, #tpu.memory_space<vmem>>) target(%dma_start3A_103 : memref<9216xf32, #tpu.memory_space<hbm>>) target_semaphore(%run_scoped3A : memref<!tpu.dma_semaphore, #tpu.memory_space<semaphore_mem>>)
      %dma_wait3A = tpu.memref_slice %arg11[%mul3A_95] : memref<294912xf32, #tpu.memory_space<hbm>> -> memref<9216xf32, #tpu.memory_space<hbm>>
      %dma_wait3A_104 = tpu.memref_slice %arg11[%mul3A_95] : memref<294912xf32, #tpu.memory_space<hbm>> -> memref<9216xf32, #tpu.memory_space<hbm>>
      tpu.wait_dma2 semaphore(%run_scoped3A : memref<!tpu.dma_semaphore, #tpu.memory_space<semaphore_mem>>) src(%arg22 : memref<9216xf32, #tpu.memory_space<vmem>>) dst(%dma_wait3A_104 : memref<9216xf32, #tpu.memory_space<hbm>>)
      tpu.yield
    }) : () -> ()
    %mul3A_96 = arith.constant 9216 : i32
    %mul3A_97 = arith.muli %add3A, %mul3A_96 : i32
    "tpu.region"() ({
      %run_scoped3A = tpu.sem_alloc : memref<!tpu.dma_semaphore, #tpu.memory_space<semaphore_mem>>
      %dma_start3A = tpu.memref_slice %arg12[%mul3A_97] : memref<294912xf32, #tpu.memory_space<hbm>> -> memref<9216xf32, #tpu.memory_space<hbm>>
      %dma_start3A_103 = tpu.memref_slice %arg12[%mul3A_97] : memref<294912xf32, #tpu.memory_space<hbm>> -> memref<9216xf32, #tpu.memory_space<hbm>>
      tpu.enqueue_dma source(%arg26 : memref<9216xf32, #tpu.memory_space<vmem>>) target(%dma_start3A_103 : memref<9216xf32, #tpu.memory_space<hbm>>) target_semaphore(%run_scoped3A : memref<!tpu.dma_semaphore, #tpu.memory_space<semaphore_mem>>)
      %dma_wait3A = tpu.memref_slice %arg12[%mul3A_97] : memref<294912xf32, #tpu.memory_space<hbm>> -> memref<9216xf32, #tpu.memory_space<hbm>>
      %dma_wait3A_104 = tpu.memref_slice %arg12[%mul3A_97] : memref<294912xf32, #tpu.memory_space<hbm>> -> memref<9216xf32, #tpu.memory_space<hbm>>
      tpu.wait_dma2 semaphore(%run_scoped3A : memref<!tpu.dma_semaphore, #tpu.memory_space<semaphore_mem>>) src(%arg26 : memref<9216xf32, #tpu.memory_space<vmem>>) dst(%dma_wait3A_104 : memref<9216xf32, #tpu.memory_space<hbm>>)
      tpu.yield
    }) : () -> ()
    %mul3A_98 = arith.constant 9216 : i32
    %mul3A_99 = arith.muli %add3A, %mul3A_98 : i32
    "tpu.region"() ({
      %run_scoped3A = tpu.sem_alloc : memref<!tpu.dma_semaphore, #tpu.memory_space<semaphore_mem>>
      %dma_start3A = tpu.memref_slice %arg13[%mul3A_99] : memref<294912xf32, #tpu.memory_space<hbm>> -> memref<9216xf32, #tpu.memory_space<hbm>>
      %dma_start3A_103 = tpu.memref_slice %arg13[%mul3A_99] : memref<294912xf32, #tpu.memory_space<hbm>> -> memref<9216xf32, #tpu.memory_space<hbm>>
      tpu.enqueue_dma source(%arg27 : memref<9216xf32, #tpu.memory_space<vmem>>) target(%dma_start3A_103 : memref<9216xf32, #tpu.memory_space<hbm>>) target_semaphore(%run_scoped3A : memref<!tpu.dma_semaphore, #tpu.memory_space<semaphore_mem>>)
      %dma_wait3A = tpu.memref_slice %arg13[%mul3A_99] : memref<294912xf32, #tpu.memory_space<hbm>> -> memref<9216xf32, #tpu.memory_space<hbm>>
      %dma_wait3A_104 = tpu.memref_slice %arg13[%mul3A_99] : memref<294912xf32, #tpu.memory_space<hbm>> -> memref<9216xf32, #tpu.memory_space<hbm>>
      tpu.wait_dma2 semaphore(%run_scoped3A : memref<!tpu.dma_semaphore, #tpu.memory_space<semaphore_mem>>) src(%arg27 : memref<9216xf32, #tpu.memory_space<vmem>>) dst(%dma_wait3A_104 : memref<9216xf32, #tpu.memory_space<hbm>>)
      tpu.yield
    }) : () -> ()
    %swap3A = arith.constant 0 : index
    %swap3A_100 = tpu.vector_load %arg28[%swap3A] {strides = array<i32>} : memref<48xf32, #tpu.memory_space<vmem>>, vector<16xf32>,
    tpu.vector_store %arg28[%swap3A], %scan3A_68 {strides = array<i32>} : memref<48xf32, #tpu.memory_space<vmem>>, vector<16xf32>,
    %mul3A_101 = arith.constant 16 : i32
    %mul3A_102 = arith.muli %add3A, %mul3A_101 : i32
    "tpu.region"() ({
      %run_scoped3A = tpu.sem_alloc : memref<!tpu.dma_semaphore, #tpu.memory_space<semaphore_mem>>
      %dma_start3A = arith.constant 0 : i32
      %dma_start3A_103 = tpu.memref_slice %arg28[%dma_start3A] : memref<48xf32, #tpu.memory_space<vmem>> -> memref<16xf32, #tpu.memory_space<vmem>>
      %dma_start3A_104 = tpu.memref_slice %arg14[%mul3A_102] : memref<512xf32, #tpu.memory_space<hbm>> -> memref<16xf32, #tpu.memory_space<hbm>>
      %dma_start3A_105 = tpu.memref_slice %arg14[%mul3A_102] : memref<512xf32, #tpu.memory_space<hbm>> -> memref<16xf32, #tpu.memory_space<hbm>>
      %dma_start3A_106 = arith.constant 0 : i32
      %dma_start3A_107 = tpu.memref_slice %arg28[%dma_start3A_106] : memref<48xf32, #tpu.memory_space<vmem>> -> memref<16xf32, #tpu.memory_space<vmem>>
      tpu.enqueue_dma source(%dma_start3A_107 : memref<16xf32, #tpu.memory_space<vmem>>) target(%dma_start3A_105 : memref<16xf32, #tpu.memory_space<hbm>>) target_semaphore(%run_scoped3A : memref<!tpu.dma_semaphore, #tpu.memory_space<semaphore_mem>>)
      %dma_wait3A = arith.constant 0 : i32
      %dma_wait3A_108 = tpu.memref_slice %arg28[%dma_wait3A] : memref<48xf32, #tpu.memory_space<vmem>> -> memref<16xf32, #tpu.memory_space<vmem>>
      %dma_wait3A_109 = tpu.memref_slice %arg14[%mul3A_102] : memref<512xf32, #tpu.memory_space<hbm>> -> memref<16xf32, #tpu.memory_space<hbm>>
      %dma_wait3A_110 = tpu.memref_slice %arg14[%mul3A_102] : memref<512xf32, #tpu.memory_space<hbm>> -> memref<16xf32, #tpu.memory_space<hbm>>
      %dma_wait3A_111 = arith.constant 0 : i32
      %dma_wait3A_112 = tpu.memref_slice %arg28[%dma_wait3A_111] : memref<48xf32, #tpu.memory_space<vmem>> -> memref<16xf32, #tpu.memory_space<vmem>>
      tpu.wait_dma2 semaphore(%run_scoped3A : memref<!tpu.dma_semaphore, #tpu.memory_space<semaphore_mem>>) src(%dma_wait3A_112 : memref<16xf32, #tpu.memory_space<vmem>>) dst(%dma_wait3A_110 : memref<16xf32, #tpu.memory_space<hbm>>)
      tpu.yield
    }) : () -> ()
    return
  }
}

</mosaic_0001>

<sc_bundles>
// kernel: kernel.3.cloned.1.call-start
scs
__scs_entry_jumppad:
0x0: {  	(pc) =	sbr.rel $0x88, $3  }
0x1: {  	(tag) =	ssettag $0x0;
	lr =	simm.s32 $0x1  }
0x2: {  	[smem:$0x3F9C] =	sst lr;
	_ =	strace $0xD0000000  }
0x3: {  	_ = 	snop  }
0x4: {  	_ = 	snop  }
0x5: {  	_ = 	snop  }
0x6: {  	_ = 	snop  }
0x7: {  	_ = 	snop  }
__scs_overlays_trampoline_lowered:
0x8: {  	[smem:$0x3FAB] =	sst s0  }
0x9: {  	[smem:$0x3FAC] =	sst s1  }
0xa: {  	[smem:$0x3FAD] =	sst s2  }
0xb: {  	[smem:$0x3FAE] =	sst s3  }
0xc: {  	[smem:$0x3FAF] =	sst s4  }
0xd: {  	[smem:$0x3FB0] =	sst s5  }
0xe: {  	[smem:$0x3FB1] =	sst s6  }
0xf: {  	[smem:$0x3FB2] =	sst s7  }
0x10: {  	[smem:$0x3FB3] =	sst s8  }
0x11: {  	[smem:$0x3FB4] =	sst s9;
	s0 =	simm.s32 @!p0 $0x0  }
0x12: {  	s1 =	sld [smem:$0x3F9A];
	s0 =	simm.s32 @p0 $0x1  }
0x13: {  	[smem:$0x3FB5] =	sst s0;
	s0 =	simm.s32 @!p1 $0x0  }
0x14: {  	s2 =	sld [smem:$0x3F99];
	s0 =	simm.s32 @p1 $0x1  }
0x15: {  	[smem:$0x3FB6] =	sst s0;
	s0 =	simm.s32 @!p2 $0x0  }
0x16: {  	s3 =	sld [smem:$0x3FDB];
	s0 =	simm.s32 @p2 $0x1  }
0x17: {  	s4 =	simm.s32 $0x1BF5;
	[smem:$0x3FB8] =	sst s0  }
0x18: {  	s0 =	sld [smem:$0x3F9B];
	_ =	swait.ge [sflag:s4], $0x0  }
0x19: {  	s7 =	sld [smem:$0x3F9C]  }
0x1a: {  	s8 =	sadd.s32 $0xFFFFE003, lr  }
0x1b: {  	s9 =	sadd.s32 $0xFFFFFEF7, lr;
	s5 =	simm.s32 $0xFFFFFFFF;
	p2 =	slt.u32 s8, $0xFFFFF086  }
0x1c: {  	p1 =	slt.u32 s9, $0xF7A;
	s5 =	simm.s32 @!p2 $0x0  }
0x1d: {  	s5 =	simm.s32 @p1 $0x1;
	p0 =	seq.s32 s7, s2  }
0x1e: {  	s7 =	smul.u32 @!p0 $0xF7A, s2;
	p2 =	seq.s32 @!p0 s5, $0x0  }
0x1f: {  	s9 =	smul.u32 $0xF7A, s1;
	s8 =	simm.s32 @!p0 $0x1BF5;
	p2 =	por !p2, p0  }
0x20: {  	[sflag:s8] =	ssyncset.s32 @!p0 $0xFFFFF086;
	s6 =	sadd.s32 @!p0 s3, s7;
	s7 =	simm.s32 @!p0 $0x108  }
0x21: {  	s3 =	sadd.s32 s3, s9;
	s6 =	sadd.s32 @!p0 $0x88, s6;
	s7 =	simm.s32 @p2 $0x1082  }
0x22: {  	[simem:s7], [sflag:s8] =	dma.local @!p0 [hbm:s6], $0xF7A  }
0x23: {  	s9 =	sor.u32 $0xD0000000, s2;
	s6 =	simm.s32 $0x108;
	_ =	swait.ge @!p0 [sflag:s8], $0x0  }
0x24: {  	s3 =	sadd.s32 $0x88, s3;
	s6 =	simm.s32 @!p1 $0x1082;
	[sflag:s4] =	ssyncset.s32 $0xFFFFF086  }
0x25: {  	[simem:s6], [sflag:s4] =	dma.local [hbm:s3], $0xF7A  }
0x26: {  	[smem:$0x3F9C] =	sst s1;
	(tag) =	ssettag s2;
	_ =	strace s9  }
0x27: {  	s1 =	sld [smem:$0x3FAC]  }
0x28: {  	s2 =	sld [smem:$0x3FAD]  }
0x29: {  	s4 =	sld [smem:$0x3FAF]  }
0x2a: {  	p0 =	seq.s32 s5, $0x0;
	s5 =	sld [smem:$0x3FB0]  }
0x2b: {  	s6 =	sld [smem:$0x3FB1]  }
0x2c: {  	s7 =	sld [smem:$0x3FB2]  }
0x2d: {  	s3 =	simm.s32 $0x108;
	s8 =	sld [smem:$0x3FB3]  }
0x2e: {  	s3 =	simm.s32 @!p0 $0x1082;
	s9 =	sld [smem:$0x3FB4]  }
0x2f: {  	lr =	sadd.s32 s0, s3;
	s0 =	sld [smem:$0x3FAB]  }
0x30: {  	s3 =	sld [smem:$0x3FAE]  }
0x31: {  	[smem:$0x3FB7] =	sst s10  }
0x32: {  	s10 =	sld [smem:$0x3FB5];
	_ =	sdelay $0x3  }
0x33: {  	p0 =	seq.s32 s10, $0x1;
	s10 =	sld [smem:$0x3FB7];
	_ =	sdelay $0x3  }
0x34: {  	[smem:$0x3FB7] =	sst s10  }
0x35: {  	s10 =	sld [smem:$0x3FB6];
	_ =	sdelay $0x3  }
0x36: {  	p1 =	seq.s32 s10, $0x1;
	s10 =	sld [smem:$0x3FB7];
	_ =	sdelay $0x3  }
0x37: {  	[smem:$0x3FB7] =	sst s10  }
0x38: {  	s10 =	sld [smem:$0x3FB8]  }
0x39: {  	_ = 	snop;
	(pc) =	sbr.ind lr, $3  }
0x3a: {  	_ = 	snop  }
0x3b: {  	_ = 	snop  }
0x3c: {  	p2 =	seq.s32 s10, $0x1;
	s10 =	sld [smem:$0x3FB7]  }
0x3d: {  	_ =	shalt  }
0x3e: {  	_ =	shalt  }
0x3f: {  	_ =	shalt  }
0x40: {  	_ =	shalt  }
0x41: {  	_ =	shalt  }
0x42: {  	_ =	shalt  }
0x43: {  	_ =	shalt  }
0x44: {  	_ =	shalt  }
0x45: {  	_ =	shalt  }
0x46: {  	_ =	shalt  }
0x47: {  	_ =	shalt  }
0x48: {  	_ =	shalt  }
0x49: {  	_ =	shalt  }
0x4a: {  	_ =	shalt  }
0x4b: {  	_ =	shalt  }
0x4c: {  	_ =	shalt  }
0x4d: {  	_ =	shalt  }
0x4e: {  	_ =	shalt  }
0x4f: {  	_ =	shalt  }
0x50: {  	_ =	shalt  }
0x51: {  	_ =	shalt  }
0x52: {  	_ =	shalt  }
0x53: {  	_ =	shalt  }
0x54: {  	_ =	shalt  }
0x55: {  	_ =	shalt  }
0x56: {  	_ =	shalt  }
0x57: {  	_ =	shalt  }
0x58: {  	_ =	shalt  }
0x59: {  	_ =	shalt  }
0x5a: {  	_ =	shalt  }
0x5b: {  	_ =	shalt  }
0x5c: {  	_ =	shalt  }
0x5d: {  	_ =	shalt  }
0x5e: {  	_ =	shalt  }
0x5f: {  	_ =	shalt  }
0x60: {  	_ =	shalt  }
0x61: {  	_ =	shalt  }
0x62: {  	_ =	shalt  }
0x63: {  	_ =	shalt  }
0x64: {  	_ =	shalt  }
0x65: {  	_ =	shalt  }
0x66: {  	_ =	shalt  }
0x67: {  	_ =	shalt  }
0x68: {  	_ =	shalt  }
0x69: {  	_ =	shalt  }
0x6a: {  	_ =	shalt  }
0x6b: {  	_ =	shalt  }
0x6c: {  	_ =	shalt  }
0x6d: {  	_ =	shalt  }
0x6e: {  	_ =	shalt  }
0x6f: {  	_ =	shalt  }
0x70: {  	_ =	shalt  }
0x71: {  	_ =	shalt  }
0x72: {  	_ =	shalt  }
0x73: {  	_ =	shalt  }
0x74: {  	_ =	shalt  }
0x75: {  	_ =	shalt  }
0x76: {  	_ =	shalt  }
0x77: {  	_ =	shalt  }
0x78: {  	_ =	shalt  }
0x79: {  	_ =	shalt  }
0x7a: {  	_ =	shalt  }
0x7b: {  	_ =	shalt  }
0x7c: {  	_ =	shalt  }
0x7d: {  	_ =	shalt  }
0x7e: {  	_ =	shalt  }
0x7f: {  	_ =	shalt  }
0x80: {  	_ =	shalt  }
0x81: {  	_ =	shalt  }
0x82: {  	_ =	shalt  }
0x83: {  	_ =	shalt  }
0x84: {  	_ =	shalt  }
0x85: {  	_ =	shalt  }
0x86: {  	_ =	shalt  }
0x87: {  	_ =	shalt  }
.Lfunc_end0:
.L_simem_size_0:
called_computation_lowered:
.L_overlay_start_0:
0x88: {  	s2 =	sld [smem:$0x3FD9]  }
0x89: {  	s3 =	sld [smem:$0x3FFE];
	_ =	sdelay $0x1  }
0x8a: {  	s1 =	srdreg.scid  }
0x8b: {  	s0 =	sand.u32 $0x1, s1  }
0x8c: {  	s14 =	sshll.u32 s0, $0xA;
	s2 =	sadd.s32 s3, s2  }
0x8d: {  	s2 =	sadd.s32 s2, s14  }
0x8e: {  	[smem:$0x3FC3] =	sst s2  }
0x8f: {  	_ = 	snop  }
0x90: {  	s2 =	sld [smem:$0x3FD0];
	_ =	sdelay $0x2  }
0x91: {  	s15 =	simm.s32 $0xA;
	s4 =	simm.s32 $0x10  }
0x92: {  	[smem:s4], [sflag:s15] =	dma.local [hbm:s2], $0x1  }
0x93: {  	_ =	swait.eq [sflag:s15], $0x1  }
0x94: {  	s16 =	sld [smem:$0x10]  }
0x95: {  	s17 =	sld [smem:$0x11];
	[sflag:s15] =	ssyncset.done $0x0  }
0x96: {  	s5 =	sld [smem:$0x12];
	[sflag:s15] =	ssyncadd.s32 $0xFFFFFFFF  }
0x97: {  	s18 =	sld [smem:$0x13];
	(tm) =	ssettm $0x1  }
0x98: {  	s6 =	sld [smem:$0x3FFB];
	_ =	sdelay $0x3  }
0x99: {  	_ =	strace s6  }
0x9a: {  	s6 =	sld [smem:$0x3FFC];
	_ =	sdelay $0x3  }
0x9b: {  	_ =	strace s6  }
0x9c: {  	s6 =	sld [smem:$0x3FFD];
	_ =	sdelay $0x3  }
0x9d: {  	_ =	strace s6  }
0x9e: {  	_ =	strace $0x8FFFFFFF  }
0x9f: {  	s19 =	sld [smem:$0x3FDB];
	_ =	sdelay $0x1  }
0xa0: {  	s7 =	simm.s32 $_scs_section_size  }
0xa1: {  	s8 =	simm.s32 $_size__tile_overlayer_lowered;
	s9 =	simm.s32 $_tile_overlayer_lowered  }
0xa2: {  	s22 =	simm.s32 $0x1BFF;
	s21 =	sshll.u32 s9, $0x1;
	s6 =	sadd.s32 s7, s19  }
0xa3: {  	s10 =	simm.s32 $0x0;
	s20 =	sshll.u32 s8, $0x1;
	s8 =	sadd.s32 s21, s6  }
0xa4: {  	[timem:s10], [sflag:s22] =	dma.local [hbm:s8], s20  }
0xa5: {  	_ =	swait.ge [sflag:s22], s20  }
0xa6: {  	s7 =	ssub.s32 $0x0, s20;
	[sflag:s22] =	ssyncset.done $0x0  }
0xa7: {  	[sflag:s22] =	ssyncadd.s32 s7;
	_ =	sdelay $0x1  }
0xa8: {  	s23 =	simm.s32 $0x1B8B  }
0xa9: {  	_ =	swait.ge [sflag:s23], $0x1  }
0xaa: {  	[sflag:s23] =	ssyncset.done $0x0  }
0xab: {  	s25 =	simm.s32 $0x1B8E;
	s24 =	sld [smem:$0x3FFE];
	[sflag:s23] =	ssyncadd.s32 $0xFFFFFFFF  }
0xac: {  	s26 =	simm.s32 $execute0_lowered;
	[smem:$0x3FD2] =	sst s25  }
0xad: {  	s8 =	sshll.u32 s26, $0x1;
	_ =	strace $0x80000046;
	[dreg:$0x1] =	wrdreg $0xFFFFFFFF  }
0xae: {  	s28 =	simm.s32 $_size_execute0_lowered;
	s6 =	sadd.s32 s6, s8;
	[dreg:$0x0] =	wrdreg $0x0  }
0xaf: {  	s8 =	sshll.u32 s28, $0x1;
	[dreg:$0x2] =	wrdreg s6  }
0xb0: {  	[dreg:$0x3] =	wrdreg s8  }
0xb1: {  	[dreg:$0x4] =	wrdreg $0xC0  }
0xb2: {  	_ =	task [dreg:s10], $0x5FFFF  }
0xb3: {  	[dreg:$0x1] =	wrdreg $0xFFFFFFFF  }
0xb4: {  	[dreg:$0x0] =	wrdreg $0x60  }
0xb5: {  	[dreg:$0x2] =	wrdreg s24  }
0xb6: {  	[dreg:$0x3] =	wrdreg s16  }
0xb7: {  	[dreg:$0x4] =	wrdreg s17  }
0xb8: {  	[dreg:$0x5] =	wrdreg s18  }
0xb9: {  	[dreg:$0x6] =	wrdreg s5  }
0xba: {  	[dreg:$0x7] =	wrdreg $0x9  }
0xbb: {  	_ =	task.clear_ibuf [dreg:s10], $0x8FFFF;
	_ =	strace $0x90000046  }
0xbc: {  	s29 =	simm.s32 $0x9;
	_ =	strace $0x80000048  }
0xbd: {  	_ =	swait.ge [sflag:s29], $0x1  }
0xbe: {  	[sflag:s29] =	ssyncadd.s32 $0xFFFFFFFF  }
0xbf: {  	_ =	strace $0x90000048  }
0xc0: {  	_ =	sfence  }
0xc1: {  	s30 =	sld [smem:$0x0];
	_ =	sdelay $0x2  }
0xc2: {  	s31 =	sshll.u32 s1, $0xD;
	s1 =	sshrl.u32 s1, $0x2  }
0xc3: {  	s3 =	sand.u32 $0x4000, s31;
	s1 =	sadd.s32 s1, s30  }
0xc4: {  	s0 =	sor.u32 s3, s0;
	s1 =	sshll.u32 s1, $0x11  }
0xc5: {  	s0 =	sor.u32 s1, s0  }
0xc6: {  	s0 =	sadd.s32 $0x8F2B, s0  }
0xc7: {  	[sflag:s0] =	ssyncadd.remote.s32 $0x1  }
0xc8: {  	_ =	sfence.sel $0xFFFF  }
0xc9: {  	[dreg:$0x0] =	wrdreg $0xFFFFFFFF;
	(pc) =	sbr.abs _section_cstart, $3  }
0xca: {  	[dreg:$0x1] =	wrdreg $0xFFFFFFFF  }
0xcb: {  	_ =	task.clear_ibuf [dreg:s10], $0x2FFFF;
	_ =	strace $0x9FFFFFFF  }
0xcc: {  	(tm) =	ssettm $0x7FFFFFFF  }
0xcd: {  	_ =	shalt  }
tec
execute0_lowered:
.L_overlay_start_1:
0x0: {  	(tag) =	ssettag $0x1  }
0x1: {  	s0 =	rddreg [dreg:$0x0]  }
0x2: {  	s1 =	rddreg [dreg:$0x1]  }
0x3: {  	s2 =	rddreg [dreg:$0x2]  }
0x4: {  	s3 =	rddreg [dreg:$0x3]  }
0x5: {  	s10 =	rddreg [dreg:$0x4]  }
0x6: {  	v0 =	vimm.s32 $0xEDCBA987;
	s4 =	simm.s32 $0x0;
	s5 =	srdreg.scid;
	s6 =	stileid.u32  }
0x7: {  	v1 =	vimm.s32 $0x65432100;
	v2 =	vimm.s32 $0xDCBA9876;
	s20 =	simm.s32 $0x1;
	s21 =	simm.s32 $0x1200;
	s22 =	simm.s32 $0x2400  }
0x8: {  	v3 =	vimm.s32 $0x54321000;
	v4 =	vimm.s32 $0xBA987654;
	s23 =	simm.s32 $0x7E00;
	s24 =	simm.s32 $0x3600;
	s25 =	simm.s32 $0x4800  }
0x9: {  	v5 =	vimm.s32 $0xE40000;
	v6 =	vimm.s32 $0x32100000;
	s26 =	simm.s32 $0x5A00;
	s28 =	simm.s32 $0x6C00;
	s29 =	simm.s32 $0x0;
	v0 =	vunpack.c.l.s4.s8 v0  }
0xa: {  	v7 =	vimm.s32 $0x7060504;
	[smem:$0x7FF] =	sst s4;
	s11 =	sand.u32 $0x1, s5;
	s6 =	sshll.u32 s6, $0x1;
	v1 =	vunpack.c.l.s4.s8 v1;
	v2 =	vunpack.c.l.s4.s8 v2  }
0xb: {  	s5 =	sadd.s32 $0x1A00, s0;
	s7 =	sadd.s32 $0x5000, s0;
	v3 =	vunpack.c.l.s4.s8 v3;
	v4 =	vunpack.c.l.s4.s8 v4;
	s12 =	sor.u32 s11, s6;
	v0 =	vunpack.c.0.s8.s32 v0  }
0xc: {  	s8 =	sadd.s32 $0x2C00, s0;
	s9 =	sadd.s32 $0x3E00, s0;
	v5 =	vunpack.c.l.s2.s4 v5;
	s13 =	smul.u32 $0x6, s12;
	v1 =	vunpack.c.0.s8.s32 v1;
	v2 =	vunpack.c.0.s8.s32 v2  }
0xd: {  	s14 =	sadd.s32 $0x7800, s0;
	v6 =	vunpack.c.l.s4.s8 v6;
	_ =	strace $0x80000047;
	s15 =	smul.u32 $0x480, s12;
	v3 =	vunpack.c.0.s8.s32 v3;
	v0 =	vand.u32 $0xF, v0  }
0xe: {  	s6 =	sadd.s32 $0x6200, s0;
	s11 =	ssub.s32 $0x2, s11;
	s16 =	smul.u32 $0x6C00, s12;
	v0 =	vcombine.low v1, v0;
	v1 =	vand.u32 $0xF, v2;
	v2 =	vunpack.c.l.s4.s8 v5  }
0xf: {  	s18 =	sshll.u32 s12, $0x1;
	s19 =	sshrl.u32 s11, $0x1;
	s12 =	smul.u32 $0xD80, s12;
	v4 =	vunpack.c.0.s8.s32 v4;
	v1 =	vcombine.low v3, v1;
	v3 =	vunpack.c.0.s8.s32 v6  }
0x10: {  	s11 =	ssub.s32 s11, s19;
	s13 =	sadd.s32 s13, s0;
	s17 =	sadd.s32 s15, s0;
	v6 =	vimm.s32 $0x87654321;
	v5 =	vunpack.c.0.s8.s32 v2;
	v2 =	vimm.s32 $0xFFEDCBA9  }
0x11: {  	s16 =	sshrl.u32 s16, $0x3;
	s0 =	sadd.s32 s18, s0;
	s12 =	sadd.s32 s14, s12;
	v4 =	vand.u32 $0xF, v4;
	v6 =	vunpack.c.l.s4.s8 v6;
	v8 =	vunpack.c.l.s4.s8 v2  }
0x12: {  	vm0 =	vcmask $0x3F30;
	s18 =	smax.u32 s11, $0x1;
	s16 =	sadd.s32 s14, s16;
	s13 =	sadd.s32 $0x7400, s13;
	v2 =	vcombine.low v3, v4;
	v4 =	vunpack.c.0.s8.s32 v7  }
0x13: {  	[dreg:$0x7] =	wrdreg s12;
	s14 =	sadd.s32 s3, s15;
	s15 =	sadd.s32 s10, s15;
	v5 =	vand.u32 $0x3, v5;
	v6 =	vunpack.c.0.s8.s32 v6;
	v7 =	vunpack.c.0.s8.s32 v8  }
0x14: {  	s3 =	simm.s32 $0x15600;
	[dreg:$0x6] =	wrdreg s13;
	s12 =	sadd.s32 $0x480, s16;
	v3 =	vimm.f32 $+Inf;
	v4 =	vsel vm0, v4, v5;
	v5 =	vimm.f32 $0.0e+00  }
0x15: {  	s13 =	sadd.s32 $0x900, s16;
	s16 =	sadd.s32 $0x22800, s17;
	s17 =	sadd.s32 $0x7600, s0;
	vm0 =	vcmask $0x3F3C;
	v6 =	vcombine.low v6, v7;
	v7 =	vimm.s32 $0x0  }
.LBB2_1:
0x16: {  	s0 =	rddreg [dreg:$0x6]  }
0x17: {  	[tilespmem:s3], [sflag:$0x1] =	stream.linear.gather [hbm4b:s0+s4], $0x30, $0x38;
	[tilespmem:$0x15680] =	vst v63  }
0x18: {  	_ =	swait.ge [sflag:s20], $0x30  }
0x19: {  	[sflag:s20] =	ssyncset.done $0x0  }
0x1a: {  	[sflag:s20] =	ssyncadd.s32 $0xFFFFFFD0  }
0x1b: {  	v21 =	vld [tilespmem:$0x15600]  }
0x1c: {  	v8 =	vld [tilespmem:$0x15610]  }
0x1d: {  	s3 =	simm.s32 $0x40;
	s0 =	simm.s32 $0x0;
	v9 =	vld [tilespmem:$0x15620]  }
.LBB2_2:
0x1e: {  	p0 =	seq.s32 s3, $0x8FC0;
	[tilespmem:s0+$0x10E00] =	vst v5;
	s10 =	smov.u32 s3;
	s3 =	sadd.s32 $0x40, s3  }
.Ltmp0:
0x1f: {  	[tilespmem:s0+$0xEA00] =	vst v5;
	(pc) =	sbr.rel @!p0 .LBB2_2-.Ltmp0, $4  }
0x20: {  	[tilespmem:s0+$0xC600] =	vst v5  }
0x21: {  	[tilespmem:s0+$0x7E00] =	vst v3  }
0x22: {  	[tilespmem:s0+$0xA200] =	vst v5  }
0x23: {  	s0 =	sshra.s32 s10, $0x2  }
0x24: {  	v10 =	vbroadcast v21, $0x0  }
0x25: {  	v11 =	vbroadcast v21, $0x1;
	v12 =	vbroadcast v21, $0x2  }
0x26: {  	v13 =	vbroadcast v21, $0x4;
	v14 =	vbroadcast v21, $0x5  }
0x27: {  	v15 =	vbroadcast v21, $0x6;
	v16 =	vbroadcast v21, $0x8  }
0x28: {  	v17 =	vbroadcast v21, $0x9;
	v18 =	vbroadcast v21, $0xA  }
0x29: {  	v19 =	vbroadcast v21, $0x3;
	v20 =	vbroadcast v21, $0x7  }
0x2a: {  	[tilespmem:s0+$0x10E00] =	vst v5;
	v21 =	vbroadcast v21, $0xB;
	v22 =	vbroadcast v8, $0x0  }
0x2b: {  	[tilespmem:s0+$0xEA00] =	vst v5;
	v23 =	vbroadcast v8, $0x1;
	v24 =	vbroadcast v8, $0x2  }
0x2c: {  	[tilespmem:s0+$0xC600] =	vst v5;
	v25 =	vbroadcast v8, $0x3;
	v26 =	vbroadcast v8, $0x4  }
0x2d: {  	[tilespmem:s0+$0x7E00] =	vst v3;
	v27 =	vbroadcast v8, $0x5;
	v28 =	vbroadcast v8, $0x6  }
0x2e: {  	[tilespmem:s0+$0xA200] =	vst v5;
	v29 =	vbroadcast v8, $0x7;
	v30 =	vbroadcast v8, $0x8;
	s31 =	simm.s32 $0x0;
	v8 =	vimm.f32 $0.0e+00;
	s0 =	simm.s32 $0x0  }
.LBB2_4:
0x2f: {  	s3 =	smul.u32 $0x240, s0;
	_ =	sdelay $0x1  }
0x30: {  	s10 =	sadd.s32 s5, s3  }
0x31: {  	[tilespmem:s31], [sflag:$0x1] =	stream.linear.gather [hbm4b:s10+s31], $0x1200, $0x38;
	[tilespmem:$0x15680] =	vst v63  }
0x32: {  	_ =	swait.ge [sflag:s20], $0x1200  }
0x33: {  	[sflag:s20] =	ssyncset.done $0x0  }
0x34: {  	s19 =	sadd.s32 s1, s3;
	[sflag:s20] =	ssyncadd.s32 $0xFFFFEE00  }
0x35: {  	[tilespmem:s21], [sflag:$0x1] =	stream.linear.gather [hbm4b:s19+s31], $0x1200, $0x38;
	[tilespmem:$0x15680] =	vst v63  }
0x36: {  	_ =	swait.ge [sflag:s20], $0x1200  }
0x37: {  	[sflag:s20] =	ssyncset.done $0x0  }
0x38: {  	s3 =	sadd.s32 s2, s3;
	[sflag:s20] =	ssyncadd.s32 $0xFFFFEE00  }
0x39: {  	[tilespmem:s22], [sflag:$0x1] =	stream.linear.gather [hbm4b:s3+s31], $0x1200, $0x38;
	[tilespmem:$0x15680] =	vst v63  }
0x3a: {  	_ =	swait.ge [sflag:s20], $0x1200  }
0x3b: {  	[sflag:s20] =	ssyncset.done $0x0  }
0x3c: {  	s3 =	simm.s32 $0x0;
	[sflag:s20] =	ssyncadd.s32 $0xFFFFEE00  }
0x3d: {  	v32 =	vld [tilespmem:s3+$0x2400];
	_ =	sdelay $0x1  }
0x3e: {  	s30 =	simm.s32 $0x40;
	v31 =	vld [tilespmem:s3+$0x1200]  }
.LBB2_5:
0x3f: {  	p0 =	sne.s32 s30, $0x47C0;
	v33 =	vld [tilespmem:s3+$0x0];
	_ =	sdelay $0x1  }
0x40: {  	v34 =	vmul.f32 v32, v18  }
0x41: {  	v35 =	vmul.f32 v32, v12;
	v32 =	vmul.f32 v32, v15  }
0x42: {  	v36 =	vmul.f32 v31, v11;
	v37 =	vmul.f32 v31, v14  }
0x43: {  	v38 =	vmul.f32 v33, v10;
	v39 =	vmul.f32 v33, v13  }
0x44: {  	v31 =	vmul.f32 v31, v17;
	v40 =	vadd.f32 v35, v19;
	v41 =	vadd.f32 v32, v20  }
0x45: {  	v33 =	vmul.f32 v33, v16;
	v36 =	vadd.f32 v36, v38;
	v38 =	vadd.f32 v37, v39  }
0x46: {  	v42 =	vadd.f32 v34, v21;
	v40 =	vxor.u32 v40, v9;
	v41 =	vxor.u32 v41, v9  }
0x47: {  	v31 =	vadd.f32 v31, v33;
	v43 =	vxor.u32 v36, v9;
	v38 =	vxor.u32 v38, v9  }
0x48: {  	v33 =	vadd.f32 v40, v43;
	v38 =	vadd.f32 v41, v38  }
0x49: {  	v32 =	vadd.f32 v32, v37;
	v35 =	vadd.f32 v35, v39;
	v40 =	vxor.u32 v42, v9  }
0x4a: {  	v37 =	vxor.u32 v31, v9;
	v39 =	vmul.f32 v33, v28;
	v41 =	vmul.f32 v38, v29  }
0x4b: {  	v35 =	vadd.f32 v35, v36;
	v37 =	vadd.f32 v40, v37  }
0x4c: {  	v31 =	vadd.f32 v32, v31;
	v36 =	vadd.f32 v41, v39  }
0x4d: {  	v32 =	vmul.f32 v37, v30  }
0x4e: {  	v31 =	vadd.f32 v31, v35;
	v36 =	vxor.u32 v36, v9  }
0x4f: {  	v35 =	vadd.f32 v36, v32;
	v32 =	vadd.f32 v32, v41;
	_ =	sdelay $0x1  }
0x50: {  	v35 =	vxor.u32 v35, v9  }
0x51: {  	v35 =	vadd.f32 $1.000000010e-07, v35;
	_ =	sdelay $0x1  }
0x52: {  	(erf) = vrcp.f32 v35;
	_ =	sdelay $0x2  }
0x53: {  	v36 =	vmul.f32 v38, v26;
	v35 =	vmul.f32 v33, v25;
	_ =	sdelay $0x1  }
0x54: {  	v38 =	vmul.f32 v38, v23;
	v33 =	vmul.f32 v33, v22;
	v35 =	vadd.f32 v36, v35  }
0x55: {  	v36 =	vmul.f32 v37, v27  }
0x56: {  	v42 =	vadd.f32 v38, v33;
	v33 =	vadd.f32 v33, v34;
	v41 =	vxor.u32 v35, v9  }
0x57: {  	v34 =	vmul.f32 v37, v24;
	v41 =	vadd.f32 v41, v36;
	v36 =	vadd.f32 v39, v36  }
0x58: {  	v39 =	vxor.u32 v42, v9;
	v40 =	vpop (erf)  }
0x59: {  	v39 =	vadd.f32 v39, v34;
	v34 =	vadd.f32 v34, v38;
	v38 =	vmul.f32 v40, v41  }
0x5a: {  	v35 =	vadd.f32 v36, v35  }
0x5b: {  	v33 =	vadd.f32 v34, v33;
	v34 =	vmul.f32 v40, v39;
	v36 =	vmax.f32 v38, $0.0e+00  }
0x5c: {  	v36 =	vmin.f32 v36, $9.500000000e+01  }
0x5d: {  	v33 =	vadd.f32 v35, v33;
	v34 =	vmax.f32 v34, $0.0e+00;
	v35 =	vtrunc.f32 v36  }
0x5e: {  	v34 =	vmin.f32 v34, $9.500000000e+01;
	v35 =	vcvt.f32.s32 v35  }
0x5f: {  	v31 =	vadd.f32 v33, v31;
	v33 =	vtrunc.f32 v34  }
0x60: {  	v33 =	vcvt.f32.s32 v33;
	v34 =	vmul.u32 $0x60, v35  }
0x61: {  	v31 =	vadd.f32 v31, v32  }
0x62: {  	v32 =	vadd.s32 v33, v34  }
0x63: {  	v8 =	vadd.f32 v31, v8;
	v32 =	vxor.u32 $0x80000000, v32  }
0x64: {  	(xrf1) =	vsort.ascd.msk.u32 $0xffff, v32, v37;
	_ =	sdelay $0xd  }
0x65: {  	v31, v32, _ =	vpop (xrf1)  }
0x66: {  	v31 =	vxor.u32 $0x80000000, v31  }
0x67: {  	v34 =	vperm.xlane v32, v0;
	v33 =	vperm.xlane v31, v0;
	_ =	sdelay $0x1  }
0x68: {  	vm1 =	veq.s32 v33, v31;
	v33 =	vmin.f32 v32, v34  }
0x69: {  	v32 =	vsel vm1, v33, v32  }
0x6a: {  	v33 =	vperm.xlane v31, v1;
	v34 =	vperm.xlane v32, v1;
	_ =	sdelay $0x1  }
0x6b: {  	vm1 =	veq.s32 v33, v31;
	v33 =	vmin.f32 v32, v34  }
0x6c: {  	v32 =	vsel vm1, v33, v32;
	v33 =	vperm.xlane v31, v2  }
0x6d: {  	v35 =	vperm.xlane v31, v6;
	v34 =	vperm.xlane v32, v2;
	_ =	sdelay $0x1  }
0x6e: {  	vm2 =	vne.s32 v31, v35;
	vm1 =	veq.s32 v33, v31;
	v33 =	vmin.f32 v32, v34;
	v34 =	vld.idx.msk [tilespmem:v31+s23+$0x0], $0xffff  }
0x6f: {  	v32 =	vsel vm1, v33, v32;
	vm1 =	vmor vm2, vm0  }
0x70: {  	v33 =	vperm.xlane v31, v4;
	v35 =	vperm.xlane v32, v4;
	_ =	sdelay $0x1  }
0x71: {  	vm2 =	veq.s32 v33, v31;
	v33 =	vmin.f32 v32, v35  }
0x72: {  	v32 =	vsel vm2, v33, v32  }
.Ltmp1:
0x73: {  	v32 =	vmin.f32 v34, v32;
	(pc) =	sbr.rel @p0 .LBB2_5-.Ltmp1, $3  }
0x74: {  	s3 =	sshra.s32 s30, $0x2;
	[tilespmem:v31+s23+$0x0] =	vst.idx.msk vm1, v32  }
0x75: {  	v32 =	vld [tilespmem:s3+$0x2400];
	_ =	sdelay $0x1  }
0x76: {  	s30 =	sadd.s32 $0x40, s30;
	v31 =	vld [tilespmem:s3+$0x1200]  }
0x77: {  	v33 =	vld [tilespmem:s3+$0x0];
	_ =	sdelay $0x1  }
0x78: {  	v34 =	vmul.f32 v32, v18  }
0x79: {  	v35 =	vmul.f32 v32, v12;
	v53 =	vmul.f32 v32, v15  }
0x7a: {  	v36 =	vmul.f32 v31, v11;
	v37 =	vmul.f32 v31, v14  }
0x7b: {  	v38 =	vmul.f32 v33, v10;
	v39 =	vmul.f32 v33, v13  }
0x7c: {  	v31 =	vmul.f32 v31, v17;
	v40 =	vadd.f32 v35, v19;
	v41 =	vadd.f32 v53, v20  }
0x7d: {  	v33 =	vmul.f32 v33, v16;
	v36 =	vadd.f32 v36, v38;
	v54 =	vadd.f32 v37, v39  }
0x7e: {  	v42 =	vadd.f32 v34, v21;
	v40 =	vxor.u32 v40, v9;
	v41 =	vxor.u32 v41, v9  }
0x7f: {  	v31 =	vadd.f32 v31, v33;
	v43 =	vxor.u32 v36, v9;
	v38 =	vxor.u32 v54, v9  }
0x80: {  	v55 =	vadd.f32 v40, v43;
	v38 =	vadd.f32 v41, v38  }
0x81: {  	v56 =	vxor.u32 v42, v9  }
0x82: {  	v57 =	vxor.u32 v31, v9;
	v58 =	vmul.f32 v55, v28;
	v43 =	vmul.f32 v38, v29  }
0x83: {  	v40 =	vadd.f32 v56, v57  }
0x84: {  	v59 =	vadd.f32 v43, v58  }
0x85: {  	v44 =	vmul.f32 v40, v30  }
0x86: {  	v41 =	vxor.u32 v59, v9  }
0x87: {  	v41 =	vadd.f32 v41, v44;
	_ =	sdelay $0x1  }
0x88: {  	v41 =	vxor.u32 v41, v9  }
0x89: {  	v41 =	vadd.f32 $1.000000010e-07, v41;
	_ =	sdelay $0x1  }
0x8a: {  	(erf) = vrcp.f32 v41;
	_ =	sdelay $0x2  }
0x8b: {  	v60 =	vmul.f32 v55, v25;
	v45 =	vmul.f32 v38, v26;
	_ =	sdelay $0x1  }
0x8c: {  	v33 =	vmul.f32 v55, v22;
	v38 =	vmul.f32 v38, v23;
	v41 =	vadd.f32 v45, v60  }
0x8d: {  	v61 =	vmul.f32 v40, v27  }
0x8e: {  	v46 =	vadd.f32 v38, v33;
	v47 =	vxor.u32 v41, v9  }
0x8f: {  	v48 =	vmul.f32 v40, v24;
	v47 =	vadd.f32 v47, v61  }
0x90: {  	v46 =	vxor.u32 v46, v9;
	v49 =	vpop (erf)  }
0x91: {  	v46 =	vadd.f32 v46, v48;
	v47 =	vmul.f32 v49, v47;
	_ =	sdelay $0x1  }
0x92: {  	v46 =	vmul.f32 v49, v46;
	v47 =	vmax.f32 v47, $0.0e+00  }
0x93: {  	v47 =	vmin.f32 v47, $9.500000000e+01  }
0x94: {  	v46 =	vmax.f32 v46, $0.0e+00;
	v47 =	vtrunc.f32 v47  }
0x95: {  	v46 =	vmin.f32 v46, $9.500000000e+01;
	v47 =	vcvt.f32.s32 v47  }
0x96: {  	v46 =	vtrunc.f32 v46  }
0x97: {  	v46 =	vcvt.f32.s32 v46;
	v47 =	vmul.u32 $0x60, v47;
	_ =	sdelay $0x1  }
0x98: {  	v46 =	vadd.s32 v46, v47  }
0x99: {  	v46 =	vxor.u32 $0x80000000, v46  }
0x9a: {  	(xrf1) =	vsort.ascd.msk.u32 $0xffff, v46, v40;
	_ =	sdelay $0xd  }
0x9b: {  	v40, v46, _ =	vpop (xrf1)  }
0x9c: {  	v40 =	vxor.u32 $0x80000000, v40  }
0x9d: {  	v63 =	vperm.xlane v46, v0;
	v62 =	vperm.xlane v40, v0;
	_ =	sdelay $0x1  }
0x9e: {  	v35 =	vadd.f32 v35, v39;
	v49 =	vmin.f32 v46, v63;
	vm1 =	veq.s32 v62, v40  }
0x9f: {  	v32 =	vadd.f32 v53, v37;
	v39 =	vsel vm1, v49, v46  }
0xa0: {  	v35 =	vadd.f32 v35, v36;
	v50 =	vperm.xlane v40, v1;
	v51 =	vperm.xlane v39, v1  }
0xa1: {  	v31 =	vadd.f32 v32, v31;
	v52 =	vadd.f32 v33, v34  }
0xa2: {  	v53 =	vadd.f32 v58, v61;
	vm1 =	veq.s32 v50, v40;
	v54 =	vmin.f32 v39, v51  }
0xa3: {  	v55 =	vadd.f32 v48, v38;
	v56 =	vperm.xlane v40, v2;
	v34 =	vsel vm1, v54, v39  }
0xa4: {  	v31 =	vadd.f32 v31, v35;
	v58 =	vperm.xlane v40, v6;
	v57 =	vperm.xlane v34, v2  }
0xa5: {  	v32 =	vadd.f32 v55, v52;
	v33 =	vadd.f32 v53, v41  }
0xa6: {  	vm2 =	vne.s32 v40, v58;
	vm1 =	veq.s32 v56, v40;
	v35 =	vmin.f32 v34, v57  }
0xa7: {  	s0 =	sadd.s32 $0x1, s0;
	v32 =	vadd.f32 v33, v32;
	v59 =	vld.idx.msk [tilespmem:v40+s23+$0x0], $0xffff;
	v34 =	vsel vm1, v35, v34;
	vm1 =	vmor vm2, vm0  }
0xa8: {  	p0 =	sne.s32 s0, $0x8;
	v60 =	vperm.xlane v40, v4;
	v61 =	vperm.xlane v34, v4  }
.Ltmp2:
0xa9: {  	v31 =	vadd.f32 v32, v31;
	v62 =	vadd.f32 v44, v43;
	(pc) =	sbr.rel @p0 .LBB2_4-.Ltmp2, $4  }
0xaa: {  	vm2 =	veq.s32 v60, v40;
	v63 =	vmin.f32 v34, v61  }
0xab: {  	v31 =	vadd.f32 v31, v62;
	v32 =	vsel vm2, v63, v34  }
0xac: {  	v32 =	vmin.f32 v59, v32  }
0xad: {  	s30 =	simm.s32 $0x0;
	v8 =	vadd.f32 v31, v8;
	[tilespmem:v40+s23+$0x0] =	vst.idx.msk vm1, v32  }
0xae: {  	s31 =	simm.s32 $0x0  }
.LBB2_8:
0xaf: {  	s0 =	smul.u32 $0x240, s31;
	_ =	sdelay $0x1  }
0xb0: {  	s3 =	sadd.s32 s5, s0  }
0xb1: {  	[tilespmem:s30], [sflag:$0x1] =	stream.linear.gather [hbm4b:s3+s30], $0x1200, $0x38;
	[tilespmem:$0x15680] =	vst v63  }
0xb2: {  	_ =	swait.ge [sflag:s20], $0x1200  }
0xb3: {  	[sflag:s20] =	ssyncset.done $0x0  }
0xb4: {  	s19 =	sadd.s32 s1, s0;
	[sflag:s20] =	ssyncadd.s32 $0xFFFFEE00  }
0xb5: {  	[tilespmem:s21], [sflag:$0x1] =	stream.linear.gather [hbm4b:s19+s30], $0x1200, $0x38;
	[tilespmem:$0x15680] =	vst v63  }
0xb6: {  	_ =	swait.ge [sflag:s20], $0x1200  }
0xb7: {  	[sflag:s20] =	ssyncset.done $0x0  }
0xb8: {  	s10 =	sadd.s32 s2, s0;
	[sflag:s20] =	ssyncadd.s32 $0xFFFFEE00  }
0xb9: {  	[tilespmem:s22], [sflag:$0x1] =	stream.linear.gather [hbm4b:s10+s30], $0x1200, $0x38;
	[tilespmem:$0x15680] =	vst v63  }
0xba: {  	_ =	swait.ge [sflag:s20], $0x1200  }
0xbb: {  	[sflag:s20] =	ssyncset.done $0x0  }
0xbc: {  	s11 =	sadd.s32 s6, s0;
	[sflag:s20] =	ssyncadd.s32 $0xFFFFEE00  }
0xbd: {  	[tilespmem:s24], [sflag:$0x1] =	stream.linear.gather [hbm4b:s11+s30], $0x1200, $0x38;
	[tilespmem:$0x15680] =	vst v63  }
0xbe: {  	_ =	swait.ge [sflag:s20], $0x1200  }
0xbf: {  	[sflag:s20] =	ssyncset.done $0x0  }
0xc0: {  	s19 =	sadd.s32 s7, s0;
	[sflag:s20] =	ssyncadd.s32 $0xFFFFEE00  }
0xc1: {  	[tilespmem:s25], [sflag:$0x1] =	stream.linear.gather [hbm4b:s19+s30], $0x1200, $0x38;
	[tilespmem:$0x15680] =	vst v63  }
0xc2: {  	_ =	swait.ge [sflag:s20], $0x1200  }
0xc3: {  	[sflag:s20] =	ssyncset.done $0x0  }
0xc4: {  	s10 =	sadd.s32 s8, s0;
	[sflag:s20] =	ssyncadd.s32 $0xFFFFEE00  }
0xc5: {  	[tilespmem:s26], [sflag:$0x1] =	stream.linear.gather [hbm4b:s10+s30], $0x1200, $0x38;
	[tilespmem:$0x15680] =	vst v63  }
0xc6: {  	_ =	swait.ge [sflag:s20], $0x1200  }
0xc7: {  	[sflag:s20] =	ssyncset.done $0x0  }
0xc8: {  	s0 =	sadd.s32 s9, s0;
	[sflag:s20] =	ssyncadd.s32 $0xFFFFEE00  }
0xc9: {  	[tilespmem:s28], [sflag:$0x1] =	stream.linear.gather [hbm4b:s0+s30], $0x1200, $0x38;
	[tilespmem:$0x15680] =	vst v63  }
0xca: {  	_ =	swait.ge [sflag:s20], $0x1200  }
0xcb: {  	[sflag:s20] =	ssyncset.done $0x0  }
0xcc: {  	s11 =	simm.s32 $0x0;
	[sflag:s20] =	ssyncadd.s32 $0xFFFFEE00  }
0xcd: {  	v31 =	vld [tilespmem:s11+$0x1200]  }
0xce: {  	v32 =	vld [tilespmem:s11+$0x2400]  }
0xcf: {  	v33 =	vld [tilespmem:s11+$0x0];
	_ =	sdelay $0x2  }
0xd0: {  	v34 =	vmul.f32 v31, v14;
	v35 =	vmul.f32 v31, v17  }
0xd1: {  	v31 =	vmul.f32 v31, v11;
	v36 =	vmul.f32 v32, v12  }
0xd2: {  	v37 =	vmul.f32 v33, v10;
	v38 =	vmul.f32 v33, v13  }
0xd3: {  	v39 =	vmul.f32 v32, v15;
	v33 =	vmul.f32 v33, v16  }
0xd4: {  	v32 =	vmul.f32 v32, v18;
	v40 =	vadd.f32 v36, v19;
	v31 =	vadd.f32 v31, v37  }
0xd5: {  	v59 =	vadd.f32 v34, v38;
	v41 =	vadd.f32 v39, v20  }
0xd6: {  	v33 =	vadd.f32 v35, v33;
	v42 =	vadd.f32 v32, v21;
	v60 =	vxor.u32 v31, v9  }
0xd7: {  	v40 =	vxor.u32 v40, v9;
	v37 =	vxor.u32 v59, v9;
	v41 =	vxor.u32 v41, v9  }
0xd8: {  	v35 =	vadd.f32 v40, v60;
	v37 =	vadd.f32 v41, v37  }
0xd9: {  	v61 =	vxor.u32 v33, v9  }
0xda: {  	v62 =	vxor.u32 v42, v9;
	v63 =	vmul.f32 v35, v28;
	v43 =	vmul.f32 v37, v29  }
0xdb: {  	v40 =	vadd.f32 v62, v61  }
0xdc: {  	v56 =	vadd.f32 v43, v63  }
0xdd: {  	v44 =	vmul.f32 v40, v30  }
0xde: {  	v41 =	vxor.u32 v56, v9  }
0xdf: {  	v41 =	vadd.f32 v41, v44;
	_ =	sdelay $0x1  }
0xe0: {  	v41 =	vxor.u32 v41, v9  }
0xe1: {  	v41 =	vadd.f32 $1.000000010e-07, v41;
	_ =	sdelay $0x1  }
0xe2: {  	(erf) = vrcp.f32 v41;
	_ =	sdelay $0x2  }
0xe3: {  	v57 =	vmul.f32 v35, v25;
	v45 =	vmul.f32 v37, v26;
	_ =	sdelay $0x1  }
0xe4: {  	v35 =	vmul.f32 v35, v22;
	v37 =	vmul.f32 v37, v23;
	v41 =	vadd.f32 v45, v57  }
0xe5: {  	v58 =	vmul.f32 v40, v27  }
0xe6: {  	v46 =	vadd.f32 v37, v35;
	v47 =	vxor.u32 v41, v9  }
0xe7: {  	v48 =	vmul.f32 v40, v24;
	v47 =	vadd.f32 v47, v58  }
0xe8: {  	v46 =	vxor.u32 v46, v9;
	v49 =	vpop (erf)  }
0xe9: {  	v46 =	vadd.f32 v46, v48;
	v47 =	vmul.f32 v49, v47;
	_ =	sdelay $0x1  }
0xea: {  	v46 =	vmul.f32 v49, v46;
	v59 =	vmax.f32 v47, $0.0e+00  }
0xeb: {  	v49 =	vmin.f32 v59, $9.500000000e+01  }
0xec: {  	v50 =	vmax.f32 v46, $0.0e+00;
	v51 =	vtrunc.f32 v49  }
0xed: {  	v50 =	vmin.f32 v50, $9.500000000e+01;
	v51 =	vcvt.f32.s32 v51  }
0xee: {  	v52 =	vtrunc.f32 v50  }
0xef: {  	v52 =	vcvt.f32.s32 v52;
	v53 =	vmul.u32 $0x60, v51;
	_ =	sdelay $0x1  }
0xf0: {  	v53 =	vadd.s32 v52, v53;
	_ =	sdelay $0x3  }
0xf1: {  	v54 =	vld [tilespmem:s11+$0x3600]  }
0xf2: {  	vm1 =	vgt.f32 v40, $0.0e+00;
	vm2 =	vge.f32 v46, $0.0e+00;
	v55 =	vld.idx.msk [tilespmem:v53+s23+$0x0], $0xffff  }
0xf3: {  	vm3 =	vlt.f32 v46, $9.600000000e+01;
	vm1 =	vmand vm1, vm2  }
0xf4: {  	vm2 =	vge.f32 v47, $0.0e+00;
	vm1 =	vmand vm3, vm1  }
0xf5: {  	vm3 =	vlt.f32 v47, $9.600000000e+01;
	vm1 =	vmand vm2, vm1  }
0xf6: {  	vm2 =	vge.f32 v54, $5.000000000e-01;
	vm1 =	vmand vm3, vm1  }
0xf7: {  	vm1 =	vmand vm2, vm1;
	vm2 =	veq.f32 v40, v55  }
0xf8: {  	vm1 =	vmand vm2, vm1  }
0xf9: {  	v60 =	vsel vm1, $0x1, v7  }
0xfa: {  	(xrf0) =	vadd.scan.msk.s32 $0xffff, v60;
	_ =	sdelay $0x5  }
0xfb: {  	v40, _, _ =	vpop (xrf0)  }
0xfc: {  	(v2sf) =	vpush v40, $0xF;
	_ =	sdelay $0xe  }
0xfd: {  	s19 =	spop (v2sf)  }
0xfe: {  	p1 =	slt.s32 s19, $0x1  }
0xff: {  	v40 =	vcvt.s32.f32 @!p1 v52;
	v46 =	vcvt.s32.f32 @!p1 v51  }
0x100: {  	v34 =	vadd.f32 v39, v34;
	v36 =	vadd.f32 v36, v38  }
0x101: {  	s0 =	simm.s32 @!p1 $0x0;
	v38 =	vsub.f32 @!p1 v50, v40;
	v39 =	vsub.f32 @!p1 v49, v46  }
0x102: {  	v32 =	vadd.f32 v35, v32;
	v61 =	vadd.f32 v48, v37;
	v37 =	vld @!p1 [tilespmem:s0+$0x4800]  }
0x103: {  	v40 =	vld @!p1 [tilespmem:s0+$0x5A00];
	v46 =	vsub.f32 @!p1 $1.000000000e+00, v38;
	v47 =	vsub.f32 @!p1 $1.000000000e+00, v39  }
0x104: {  	v31 =	vadd.f32 v36, v31;
	v62 =	vadd.f32 v63, v58;
	v42 =	vld @!p1 [tilespmem:s0+$0x6C00]  }
0x105: {  	v33 =	vadd.f32 v34, v33;
	v32 =	vadd.f32 v61, v32;
	v34 =	vmul.f32 @!p1 v47, v46  }
0x106: {  	v63 =	vadd.f32 v62, v41;
	v36 =	vimm.s32 @!p1 $0x0;
	vm2 =	vlt.s32 @!p1 v51, $0x5F  }
0x107: {  	v31 =	vadd.f32 v33, v31;
	v41 =	vsel @!p1 vm2, $0x60, v36;
	v33 =	vmul.f32 @!p1 v37, v34  }
0x108: {  	v32 =	vadd.f32 v63, v32;
	s3 =	simm.s32 @!p1 $0xA200;
	v45 =	vadd.s32 @!p1 v41, v53;
	v35 =	vmul.f32 @!p1 v40, v34  }
0x109: {  	s10 =	simm.s32 @!p1 $0xC600;
	v46 =	vmul.f32 @!p1 v46, v39;
	[tilespmem:v53+s3+$0x0] =	vst.idx.add.f32.msk @!p1 vm1, v33;
	v33 =	vmul.f32 @!p1 v42, v34  }
0x10a: {  	v43 =	vadd.f32 v44, v43;
	s11 =	simm.s32 @!p1 $0xEA00;
	vm2 =	vlt.s32 @!p1 v52, $0x5F;
	v34 =	vmul.f32 @!p1 v34, v54;
	[tilespmem:v53+s10+$0x0] =	vst.idx.add.f32.msk @!p1 vm1, v35  }
0x10b: {  	v31 =	vadd.f32 v32, v31;
	s19 =	simm.s32 @!p1 $0x10E00;
	v32 =	vsel @!p1 vm2, $0x1, v36;
	v35 =	vmul.f32 @!p1 v37, v46;
	[tilespmem:v53+s11+$0x0] =	vst.idx.add.f32.msk @!p1 vm1, v33  }
0x10c: {  	v36 =	vadd.s32 @!p1 v32, v53;
	v32 =	vmul.f32 @!p1 v40, v46;
	[tilespmem:v53+s19+$0x0] =	vst.idx.add.f32.msk @!p1 vm1, v34  }
0x10d: {  	v34 =	vmul.f32 @!p1 v42, v46;
	[tilespmem:v45+s3+$0x0] =	vst.idx.add.f32.msk @!p1 vm1, v35  }
0x10e: {  	v31 =	vadd.f32 v31, v43;
	v33 =	vmul.f32 @!p1 v47, v38;
	[tilespmem:v45+s10+$0x0] =	vst.idx.add.f32.msk @!p1 vm1, v32  }
0x10f: {  	v35 =	vmul.f32 @!p1 v46, v54;
	[tilespmem:v45+s11+$0x0] =	vst.idx.add.f32.msk @!p1 vm1, v34;
	v34 =	vmul.f32 @!p1 v39, v38  }
0x110: {  	v8 =	vadd.f32 v31, v8;
	v32 =	vmul.f32 @!p1 v37, v33;
	v38 =	vmul.f32 @!p1 v40, v33  }
0x111: {  	v39 =	vmul.f32 @!p1 v42, v33;
	[tilespmem:v45+s19+$0x0] =	vst.idx.add.f32.msk @!p1 vm1, v35;
	v31 =	vmul.f32 @!p1 v40, v34  }
0x112: {  	[tilespmem:v36+s3+$0x0] =	vst.idx.add.f32.msk @!p1 vm1, v32;
	v40 =	vmul.f32 @!p1 v33, v54;
	v35 =	vmul.f32 @!p1 v37, v34  }
0x113: {  	v32 =	vmul.f32 @!p1 v42, v34;
	v33 =	vmul.f32 @!p1 v34, v54;
	v34 =	vadd.s32 @!p1 v41, v36;
	_ =	sdelay $0x1  }
0x114: {  	[tilespmem:v36+s10+$0x0] =	vst.idx.add.f32.msk @!p1 vm1, v38  }
0x115: {  	[tilespmem:v36+s11+$0x0] =	vst.idx.add.f32.msk @!p1 vm1, v39  }
0x116: {  	s0 =	simm.s32 $0x40;
	[tilespmem:v36+s19+$0x0] =	vst.idx.add.f32.msk @!p1 vm1, v40  }
.LBB2_9:
0x117: {  	[tilespmem:v34+s3+$0x0] =	vst.idx.add.f32.msk @!p1 vm1, v35;
	s3 =	smov.u32 s0;
	s0 =	sadd.s32 $0x40, s0  }
0x118: {  	p0 =	sne.s32 s0, $0x4800;
	[tilespmem:v34+s10+$0x0] =	vst.idx.add.f32.msk @!p1 vm1, v31  }
0x119: {  	[tilespmem:v34+s11+$0x0] =	vst.idx.add.f32.msk @!p1 vm1, v32  }
0x11a: {  	s10 =	sshra.s32 s3, $0x2;
	[tilespmem:v34+s19+$0x0] =	vst.idx.add.f32.msk @!p1 vm1, v33  }
0x11b: {  	v31 =	vld [tilespmem:s10+$0x1200]  }
0x11c: {  	v32 =	vld [tilespmem:s10+$0x2400]  }
0x11d: {  	v33 =	vld [tilespmem:s10+$0x0];
	_ =	sdelay $0x2  }
0x11e: {  	v34 =	vmul.f32 v31, v14;
	v35 =	vmul.f32 v31, v17  }
0x11f: {  	v31 =	vmul.f32 v31, v11;
	v36 =	vmul.f32 v32, v12  }
0x120: {  	v37 =	vmul.f32 v33, v10;
	v38 =	vmul.f32 v33, v13  }
0x121: {  	v39 =	vmul.f32 v32, v15;
	v33 =	vmul.f32 v33, v16;
	v40 =	vadd.f32 v36, v19  }
0x122: {  	v32 =	vmul.f32 v32, v18;
	v31 =	vadd.f32 v31, v37;
	v37 =	vadd.f32 v34, v38  }
0x123: {  	v41 =	vadd.f32 v39, v20;
	v33 =	vadd.f32 v35, v33  }
0x124: {  	v42 =	vadd.f32 v32, v21;
	v40 =	vxor.u32 v40, v9;
	v35 =	vxor.u32 v31, v9  }
0x125: {  	v37 =	vxor.u32 v37, v9;
	v35 =	vadd.f32 v40, v35;
	v40 =	vxor.u32 v41, v9  }
0x126: {  	v34 =	vadd.f32 v39, v34;
	v37 =	vadd.f32 v40, v37;
	v40 =	vxor.u32 v33, v9  }
0x127: {  	v36 =	vadd.f32 v36, v38;
	v39 =	vmul.f32 v35, v22;
	v41 =	vmul.f32 v35, v25  }
0x128: {  	v38 =	vxor.u32 v42, v9;
	v35 =	vmul.f32 v35, v28;
	v42 =	vmul.f32 v37, v29  }
0x129: {  	v38 =	vadd.f32 v38, v40;
	v40 =	vmul.f32 v37, v23;
	v37 =	vmul.f32 v37, v26  }
0x12a: {  	v32 =	vadd.f32 v39, v32;
	v43 =	vadd.f32 v42, v35  }
0x12b: {  	v44 =	vmul.f32 v38, v30;
	v39 =	vadd.f32 v40, v39;
	v37 =	vadd.f32 v37, v41  }
0x12c: {  	v31 =	vadd.f32 v36, v31;
	v33 =	vadd.f32 v34, v33;
	v41 =	vxor.u32 v43, v9  }
0x12d: {  	v34 =	vxor.u32 v37, v9;
	v36 =	vadd.f32 v41, v44;
	v41 =	vadd.f32 v44, v42;
	_ =	sdelay $0x1  }
0x12e: {  	v36 =	vxor.u32 v36, v9  }
0x12f: {  	v36 =	vadd.f32 $1.000000010e-07, v36;
	_ =	sdelay $0x1  }
0x130: {  	(erf) = vrcp.f32 v36;
	_ =	sdelay $0x5  }
0x131: {  	v42 =	vmul.f32 v38, v27;
	v36 =	vmul.f32 v38, v24  }
0x132: {  	v39 =	vxor.u32 v39, v9  }
0x133: {  	v34 =	vadd.f32 v34, v42;
	v39 =	vadd.f32 v39, v36  }
0x134: {  	v35 =	vadd.f32 v35, v42;
	v36 =	vadd.f32 v36, v40;
	v40 =	vpop (erf)  }
0x135: {  	v31 =	vadd.f32 v33, v31;
	v33 =	vmul.f32 v40, v39;
	v34 =	vmul.f32 v40, v34  }
0x136: {  	vm1 =	vgt.f32 v38, $0.0e+00;
	v35 =	vadd.f32 v35, v37;
	v32 =	vadd.f32 v36, v32  }
0x137: {  	vm2 =	vge.f32 v34, $0.0e+00;
	v36 =	vmax.f32 v33, $0.0e+00;
	v37 =	vmax.f32 v34, $0.0e+00  }
0x138: {  	v32 =	vadd.f32 v35, v32;
	vm3 =	vge.f32 v33, $0.0e+00;
	v35 =	vmin.f32 v37, $9.500000000e+01  }
0x139: {  	vm1 =	vmand vm1, vm3;
	vm3 =	vlt.f32 v34, $9.600000000e+01;
	v34 =	vtrunc.f32 v35  }
0x13a: {  	vm4 =	vlt.f32 v33, $9.600000000e+01;
	v33 =	vmin.f32 v36, $9.500000000e+01;
	v34 =	vcvt.f32.s32 v34  }
0x13b: {  	v31 =	vadd.f32 v32, v31;
	vm1 =	vmand vm4, vm1;
	v32 =	vtrunc.f32 v33  }
0x13c: {  	vm1 =	vmand vm2, vm1;
	v32 =	vcvt.f32.s32 v32;
	v36 =	vmul.u32 $0x60, v34  }
0x13d: {  	v31 =	vadd.f32 v31, v41;
	vm1 =	vmand vm3, vm1  }
0x13e: {  	v36 =	vadd.s32 v32, v36  }
0x13f: {  	v8 =	vadd.f32 v31, v8;
	_ =	sdelay $0x2  }
0x140: {  	v37 =	vld [tilespmem:s10+$0x3600]  }
0x141: {  	v31 =	vld.idx.msk [tilespmem:v36+s23+$0x0], $0xffff;
	_ =	sdelay $0x4  }
0x142: {  	vm2 =	vge.f32 v37, $5.000000000e-01  }
0x143: {  	vm1 =	vmand vm2, vm1;
	vm2 =	veq.f32 v38, v31  }
0x144: {  	vm1 =	vmand vm2, vm1  }
0x145: {  	v31 =	vsel vm1, $0x1, v7  }
0x146: {  	(xrf0) =	vadd.scan.msk.s32 $0xffff, v31;
	_ =	sdelay $0x5  }
0x147: {  	v31, _, _ =	vpop (xrf0)  }
0x148: {  	(v2sf) =	vpush v31, $0xF;
	_ =	sdelay $0xe  }
0x149: {  	s10 =	spop (v2sf)  }
0x14a: {  	p1 =	slt.s32 s10, $0x1  }
0x14b: {  	s3 =	sshra.s32 @!p1 s3, $0x2;
	v31 =	vcvt.s32.f32 @!p1 v32;
	v38 =	vcvt.s32.f32 @!p1 v34;
	v39 =	vimm.s32 @!p1 $0x0  }
0x14c: {  	vm2 =	vlt.s32 @!p1 v32, $0x5F;
	vm3 =	vlt.s32 @!p1 v34, $0x5F  }
0x14d: {  	v34 =	vsel @!p1 vm3, $0x60, v39;
	v32 =	vld @!p1 [tilespmem:s3+$0x5A00];
	v31 =	vsub.f32 @!p1 v33, v31;
	v33 =	vsub.f32 @!p1 v35, v38  }
0x14e: {  	v38 =	vsel @!p1 vm2, $0x1, v39;
	v35 =	vld @!p1 [tilespmem:s3+$0x4800]  }
0x14f: {  	v39 =	vld @!p1 [tilespmem:s3+$0x6C00];
	v40 =	vsub.f32 @!p1 $1.000000000e+00, v31;
	v41 =	vsub.f32 @!p1 $1.000000000e+00, v33;
	v42 =	vmul.f32 @!p1 v33, v31;
	_ =	sdelay $0x1  }
0x150: {  	v43 =	vmul.f32 @!p1 v41, v40;
	v33 =	vmul.f32 @!p1 v40, v33  }
0x151: {  	v40 =	vmul.f32 @!p1 v41, v31;
	v31 =	vmul.f32 @!p1 v32, v42  }
0x152: {  	v38 =	vadd.s32 @!p1 v38, v36;
	v41 =	vmul.f32 @!p1 v35, v43;
	v44 =	vmul.f32 @!p1 v32, v43  }
0x153: {  	v45 =	vadd.s32 @!p1 v34, v36;
	s3 =	simm.s32 @!p1 $0xA200;
	v46 =	vmul.f32 @!p1 v39, v43;
	v43 =	vmul.f32 @!p1 v43, v37  }
0x154: {  	s10 =	simm.s32 @!p1 $0xC600;
	v47 =	vmul.f32 @!p1 v32, v33;
	[tilespmem:v36+s3+$0x0] =	vst.idx.add.f32.msk @!p1 vm1, v41;
	v41 =	vmul.f32 @!p1 v35, v33  }
0x155: {  	s11 =	simm.s32 @!p1 $0xEA00;
	v48 =	vmul.f32 @!p1 v33, v37;
	[tilespmem:v36+s10+$0x0] =	vst.idx.add.f32.msk @!p1 vm1, v44;
	v44 =	vmul.f32 @!p1 v39, v33  }
0x156: {  	s19 =	simm.s32 @!p1 $0x10E00;
	v49 =	vmul.f32 @!p1 v32, v40;
	[tilespmem:v36+s11+$0x0] =	vst.idx.add.f32.msk @!p1 vm1, v46;
	v46 =	vmul.f32 @!p1 v35, v40  }
0x157: {  	[tilespmem:v36+s19+$0x0] =	vst.idx.add.f32.msk @!p1 vm1, v43;
	v36 =	vmul.f32 @!p1 v39, v40;
	v40 =	vmul.f32 @!p1 v40, v37  }
0x158: {  	v32 =	vmul.f32 @!p1 v39, v42;
	v35 =	vmul.f32 @!p1 v35, v42;
	[tilespmem:v45+s3+$0x0] =	vst.idx.add.f32.msk @!p1 vm1, v41  }
0x159: {  	v33 =	vmul.f32 @!p1 v42, v37;
	[tilespmem:v45+s10+$0x0] =	vst.idx.add.f32.msk @!p1 vm1, v47  }
0x15a: {  	[tilespmem:v45+s11+$0x0] =	vst.idx.add.f32.msk @!p1 vm1, v44  }
.Ltmp3:
0x15b: {  	v34 =	vadd.s32 @!p1 v34, v38;
	[tilespmem:v45+s19+$0x0] =	vst.idx.add.f32.msk @!p1 vm1, v48;
	(pc) =	sbr.rel @p0 .LBB2_9-.Ltmp3, $4  }
0x15c: {  	[tilespmem:v38+s3+$0x0] =	vst.idx.add.f32.msk @!p1 vm1, v46  }
0x15d: {  	[tilespmem:v38+s10+$0x0] =	vst.idx.add.f32.msk @!p1 vm1, v49  }
0x15e: {  	[tilespmem:v38+s11+$0x0] =	vst.idx.add.f32.msk @!p1 vm1, v36  }
0x15f: {  	[tilespmem:v38+s19+$0x0] =	vst.idx.add.f32.msk @!p1 vm1, v40  }
0x160: {  	_ =	sdelay $0x1  }
0x161: {  	s31 =	sadd.s32 $0x1, s31  }
0x162: {  	p0 =	sne.s32 s31, $0x8  }
.Ltmp4:
0x163: {  	_ = 	snop;
	(pc) =	sbr.rel @p0 .LBB2_8-.Ltmp4, $4  }
0x164: {  	[tilespmem:v34+s3+$0x0] =	vst.idx.add.f32.msk @!p1 vm1, v35  }
0x165: {  	[tilespmem:v34+s10+$0x0] =	vst.idx.add.f32.msk @!p1 vm1, v31  }
0x166: {  	[tilespmem:v34+s11+$0x0] =	vst.idx.add.f32.msk @!p1 vm1, v32  }
0x167: {  	[tilespmem:v34+s19+$0x0] =	vst.idx.add.f32.msk @!p1 vm1, v33  }
0x168: {  	s3 =	simm.s32 $0x0  }
0x169: {  	v9 =	vld [tilespmem:s3+$0xA200]  }
0x16a: {  	v10 =	vld [tilespmem:s3+$0xC600]  }
0x16b: {  	v11 =	vld [tilespmem:s3+$0xEA00];
	_ =	sdelay $0x1  }
0x16c: {  	v12 =	vld [tilespmem:s3+$0x7E00]  }
0x16d: {  	v13 =	vmax.f32 v9, $0.0e+00;
	vm1 =	vgt.f32 v9, $1.000000000e+00  }
0x16e: {  	vm2 =	vgt.f32 v10, $1.000000000e+00;
	v10 =	vmax.f32 v10, $0.0e+00;
	v9 =	vmin.f32 v13, $1.000000000e+00  }
0x16f: {  	s0 =	simm.s32 $0x10;
	[tilespmem:s3+$0xA200] =	vst v9;
	v9 =	vmin.f32 v10, $1.000000000e+00;
	v10 =	vmax.f32 v11, $0.0e+00  }
0x170: {  	vm3 =	vgt.f32 v11, $1.000000000e+00;
	v13 =	vld [tilespmem:s0+$0xA200];
	[tilespmem:s3+$0xC600] =	vst v9;
	v9 =	vmin.f32 v10, $1.000000000e+00  }
0x171: {  	vm4 =	vgt.f32 v12, $+Inf;
	vm1 =	vmneg vm1;
	vm2 =	vmneg vm2;
	v11 =	vld [tilespmem:s0+$0xC600];
	[tilespmem:s3+$0xEA00] =	vst v9  }
0x172: {  	vm1 =	vmand vm1, vm2;
	vm2 =	vmneg vm3;
	vm3 =	vlt.f32 v12, $+Inf;
	v10 =	vld [tilespmem:s0+$0xEA00]  }
0x173: {  	vm1 =	vmand vm1, vm2;
	vm2 =	vmor vm4, vm3  }
0x174: {  	vm2 =	vmand vm2, vm1;
	v9 =	vld [tilespmem:s0+$0x7E00]  }
0x175: {  	s10 =	simm.s32 $0x80;
	s11 =	simm.s32 $0xC0;
	v12 =	vsel vm2, $0x3F800000, v5;
	vm1 =	vgt.f32 v13, $1.000000000e+00;
	v13 =	vmax.f32 v13, $0.0e+00  }
.LBB2_12:
0x176: {  	p0 =	sne.s32 s11, $0x8FC0;
	vm2 =	vgt.f32 v11, $1.000000000e+00;
	v13 =	vmin.f32 v13, $1.000000000e+00;
	v11 =	vmax.f32 v11, $0.0e+00;
	[tilespmem:s3+$0x13200] =	vst v12;
	s3 =	smov.u32 s0  }
0x177: {  	s0 =	sshra.s32 s10, $0x2;
	vm1 =	vmneg vm1;
	s10 =	smov.u32 s11;
	[tilespmem:s3+$0xA200] =	vst v13;
	v11 =	vmin.f32 v11, $1.000000000e+00;
	v12 =	vmax.f32 v10, $0.0e+00  }
0x178: {  	vm2 =	vmneg vm2;
	vm3 =	vgt.f32 v10, $1.000000000e+00;
	v13 =	vld [tilespmem:s0+$0xA200];
	[tilespmem:s3+$0xC600] =	vst v11;
	v10 =	vmin.f32 v12, $1.000000000e+00  }
.Ltmp5:
0x179: {  	vm1 =	vmand vm1, vm2;
	vm2 =	vmneg vm3;
	vm3 =	vlt.f32 v9, $+Inf;
	v11 =	vld [tilespmem:s0+$0xC600];
	[tilespmem:s3+$0xEA00] =	vst v10;
	(pc) =	sbr.rel @p0 .LBB2_12-.Ltmp5, $4  }
0x17a: {  	vm1 =	vmand vm1, vm2;
	vm2 =	vgt.f32 v9, $+Inf;
	v10 =	vld [tilespmem:s0+$0xEA00]  }
0x17b: {  	vm2 =	vmor vm2, vm3;
	v9 =	vld [tilespmem:s0+$0x7E00]  }
0x17c: {  	vm2 =	vmand vm2, vm1  }
0x17d: {  	s11 =	sadd.s32 $0x40, s11;
	v12 =	vsel vm2, $0x3F800000, v5;
	vm1 =	vgt.f32 v13, $1.000000000e+00;
	v13 =	vmax.f32 v13, $0.0e+00  }
0x17e: {  	v13 =	vmin.f32 v13, $1.000000000e+00;
	[tilespmem:s3+$0x13200] =	vst v12;
	v53 =	vmax.f32 v11, $0.0e+00  }
0x17f: {  	s31 =	sshra.s32 s10, $0x2;
	[tilespmem:s0+$0xA200] =	vst v13;
	v12 =	vmin.f32 v53, $1.000000000e+00  }
0x180: {  	v54 =	vmax.f32 v10, $0.0e+00;
	v13 =	vld [tilespmem:s31+$0xA200];
	[tilespmem:s0+$0xC600] =	vst v12  }
0x181: {  	vm2 =	vgt.f32 v11, $1.000000000e+00;
	v55 =	vmin.f32 v54, $1.000000000e+00;
	v56 =	vld [tilespmem:s31+$0xC600]  }
0x182: {  	vm1 =	vmneg vm1;
	vm2 =	vmneg vm2;
	[tilespmem:s0+$0xEA00] =	vst v55  }
0x183: {  	vm3 =	vgt.f32 v10, $1.000000000e+00;
	vm1 =	vmand vm1, vm2;
	v57 =	vld [tilespmem:s31+$0xEA00]  }
0x184: {  	vm2 =	vmneg vm3;
	vm3 =	vlt.f32 v9, $+Inf;
	vm4 =	vgt.f32 v9, $+Inf  }
0x185: {  	vm1 =	vmand vm1, vm2;
	vm2 =	vmor vm4, vm3;
	v58 =	vld [tilespmem:s31+$0x7E00]  }
0x186: {  	vm1 =	vmand vm2, vm1;
	vm2 =	vgt.f32 v13, $1.000000000e+00;
	vm3 =	vgt.f32 v56, $1.000000000e+00  }
0x187: {  	v60 =	vsel vm1, $0x3F800000, v5;
	vm2 =	vmneg vm2;
	vm3 =	vmneg vm3  }
0x188: {  	v59 =	vmax.f32 v13, $0.0e+00;
	vm1 =	vmand vm2, vm3;
	vm2 =	vgt.f32 v57, $1.000000000e+00  }
0x189: {  	v11 =	vmin.f32 v59, $1.000000000e+00;
	v12 =	vmax.f32 v56, $0.0e+00;
	vm2 =	vmneg vm2  }
0x18a: {  	[tilespmem:s0+$0x13200] =	vst v60;
	vm3 =	vlt.f32 v58, $+Inf;
	vm1 =	vmand vm1, vm2;
	vm2 =	vgt.f32 v58, $+Inf  }
0x18b: {  	[tilespmem:s31+$0xA200] =	vst v11;
	v61 =	vmin.f32 v12, $1.000000000e+00;
	v10 =	vmax.f32 v57, $0.0e+00;
	vm2 =	vmor vm2, vm3  }
0x18c: {  	[tilespmem:s31+$0xC600] =	vst v61;
	v62 =	vmin.f32 v10, $1.000000000e+00;
	vm1 =	vmand vm2, vm1  }
0x18d: {  	[tilespmem:s31+$0xEA00] =	vst v62;
	v63 =	vsel vm1, $0x3F800000, v5  }
0x18e: {  	s3 =	rddreg [dreg:$0x7];
	s10 =	simm.s32 $0xA200;
	[tilespmem:s31+$0x13200] =	vst v63  }
0x18f: {  	[hbm4b:s3+s4] =	stream.linear.scatter [tilespmem:s10], [sflag:$0x1], $0x2400, $0x38;
	[tilespmem:$0x15680] =	vst v63  }
0x190: {  	_ =	swait.ge [sflag:s20], $0x2400  }
0x191: {  	[sflag:s20] =	ssyncset.done $0x0  }
0x192: {  	s11 =	simm.s32 $0xC600;
	[sflag:s20] =	ssyncadd.s32 $0xFFFFDC00  }
0x193: {  	[hbm4b:s12+s4] =	stream.linear.scatter [tilespmem:s11], [sflag:$0x1], $0x2400, $0x38;
	[tilespmem:$0x15680] =	vst v63  }
0x194: {  	_ =	swait.ge [sflag:s20], $0x2400  }
0x195: {  	[sflag:s20] =	ssyncset.done $0x0  }
0x196: {  	s19 =	simm.s32 $0xEA00;
	[sflag:s20] =	ssyncadd.s32 $0xFFFFDC00  }
0x197: {  	[hbm4b:s13+s4] =	stream.linear.scatter [tilespmem:s19], [sflag:$0x1], $0x2400, $0x38;
	[tilespmem:$0x15680] =	vst v63  }
0x198: {  	_ =	swait.ge [sflag:s20], $0x2400  }
0x199: {  	[sflag:s20] =	ssyncset.done $0x0  }
0x19a: {  	[sflag:s20] =	ssyncadd.s32 $0xFFFFDC00  }
0x19b: {  	[hbm4b:s14+s4] =	stream.linear.scatter [tilespmem:s23], [sflag:$0x1], $0x2400, $0x38;
	[tilespmem:$0x15680] =	vst v63  }
0x19c: {  	_ =	swait.ge [sflag:s20], $0x2400  }
0x19d: {  	[sflag:s20] =	ssyncset.done $0x0  }
0x19e: {  	s30 =	simm.s32 $0x10E00;
	[sflag:s20] =	ssyncadd.s32 $0xFFFFDC00  }
0x19f: {  	[hbm4b:s15+s4] =	stream.linear.scatter [tilespmem:s30], [sflag:$0x1], $0x2400, $0x38;
	[tilespmem:$0x15680] =	vst v63  }
0x1a0: {  	_ =	swait.ge [sflag:s20], $0x2400  }
0x1a1: {  	[sflag:s20] =	ssyncset.done $0x0  }
0x1a2: {  	s31 =	simm.s32 $0x13200;
	[sflag:s20] =	ssyncadd.s32 $0xFFFFDC00  }
0x1a3: {  	[hbm4b:s16+s4] =	stream.linear.scatter [tilespmem:s31], [sflag:$0x1], $0x2400, $0x38;
	[tilespmem:$0x15680] =	vst v63  }
0x1a4: {  	_ =	swait.ge [sflag:s20], $0x2400  }
0x1a5: {  	s29 =	sadd.s32 $0x1, s29;
	[sflag:s20] =	ssyncset.done $0x0  }
0x1a6: {  	p0 =	sne.s32 s29, s18;
	[sflag:s20] =	ssyncadd.s32 $0xFFFFDC00  }
.Ltmp6:
0x1a7: {  	s3 =	simm.s32 $0x15600;
	[tilespmem:$0x15600] =	vst v8;
	(pc) =	sbr.rel @p0 .LBB2_1-.Ltmp6, $4  }
0x1a8: {  	[hbm4b:s17+s4] =	stream.linear.scatter [tilespmem:s3], [sflag:$0x1], $0x10, $0x38;
	[tilespmem:$0x15680] =	vst v63  }
0x1a9: {  	_ =	swait.ge [sflag:s20], $0x10  }
0x1aa: {  	[sflag:s20] =	ssyncset.done $0x0  }
0x1ab: {  	[sflag:s20] =	ssyncadd.s32 $0xFFFFFFF0  }
0x1ac: {  	_ =	sfence.sel $0x180000  }
0x1ad: {  	[bflag:$0x0] =	sbarrier.arrive $0xFFFF  }
0x1ae: {  	_ =	strace $0x90000047  }
0x1af: {  	s0 =	stileid.u32;
	[bflag:$0x2] =	sbarrier.arrive $0xFFFF  }
0x1b0: {  	p0 =	sne.s32 s0, $0x0;
	s0 =	rddreg [dreg:$0x5]  }
0x1b1: {  	s0 =	sadd.s32 @!p0 $0x100000, s0  }
0x1b2: {  	[sflag:s0] =	ssyncadd.tile.s32 @!p0 $0x1;
	_ =	shalt  }
.Lfunc_end2:
_tile_overlayer_lowered:
.L_overlay_start_2:
0x1b3: {  	(tag) =	ssettag $0x2  }
0x1b4: {  	s0 =	rddreg [dreg:$0x0];
	s2 =	stileid.u32  }
0x1b5: {  	s1 =	rddreg [dreg:$0x1];
	p0 =	sne.s32 s2, $0x0  }
0x1b6: {  	s3 =	rddreg [dreg:$0x2];
	[bflag:$0x3] =	sbarrier.arrive $0xFFFF;
	s2 =	simm.s32 @!p0 $0x1C01  }
0x1b7: {  	[timem:s3], [sflag:s2] =	dma.local @!p0 [hbm:s0], s1  }
0x1b8: {  	s0 =	simm.s32 @!p0 $0x1  }
0x1b9: {  	_ =	swait.ge @!p0 [sflag:s0], s1  }
0x1ba: {  	s1 =	ssub.s32 @!p0 $0x0, s1;
	[sflag:s0] =	ssyncset.done @!p0 $0x0  }
0x1bb: {  	[sflag:s0] =	ssyncadd.s32 @!p0 s1  }
0x1bc: {  	[bflag:$0x3] =	sbarrier.arrive $0xFFFF  }
0x1bd: {  	_ =	shalt  }

</sc_bundles>
